<compile_context>
chip_gen: v7x
topology: tpu7x:2x2x1
jax: 0.10.2.dev20260603
libtpu: 0.0.44.dev20260713+nightly
codegen_flags: <defaults>
</compile_context>

<pallas_src>
import functools

import jax
import jax.numpy as jnp
from jax import lax
from jax.experimental import pallas as pl
from jax.experimental.pallas import tpu as pltpu
from jax.experimental.pallas import tpu_sc as plsc

_E = 64
_M = 128
_NW = 32


def _routing_body(x_ref, rw_ref, g16_ref, pos_ref, te_ref, fb_ref, eo_ref,
                  el_ref, nu_ref):
    xt = x_ref[...]
    T = xt.shape[0]
    logits = lax.dot_general(xt, rw_ref[...], (((1,), (1,)), ((), ())),
                             preferred_element_type=jnp.float32)
    m = jnp.max(logits, axis=1, keepdims=True)
    ex = jnp.exp(logits - m)
    s = jnp.sum(ex, axis=1, keepdims=True)
    p = ex / s
    pm = jnp.max(p, axis=1, keepdims=True)
    iota_e = lax.broadcasted_iota(jnp.int32, p.shape, 1)
    eid = jnp.min(jnp.where(p == pm, iota_e, _E), axis=1, keepdims=True)
    oh = (iota_e == eid).astype(jnp.float32)

    csum = oh
    k = 1
    while k < T:
        csum = csum + jnp.concatenate(
            [jnp.zeros((k, _E), jnp.float32), csum[:T - k]], axis=0)
        k *= 2
    rank = jnp.sum(csum * oh, axis=1, keepdims=True) - 1.0

    counts = jnp.sum(oh, axis=0, keepdims=True)
    pt = (counts.astype(jnp.int32) + (_M - 1)) // _M
    ptf = pt.astype(jnp.float32)
    iu0 = lax.broadcasted_iota(jnp.int32, (_E, _E), 0)
    iu1 = lax.broadcasted_iota(jnp.int32, (_E, _E), 1)
    tri = (iu0 <= iu1).astype(jnp.float32)
    ic = lax.dot_general(ptf, tri, (((1,), (0,)), ((), ())),
                         preferred_element_type=jnp.float32)
    po = _M * (ic - ptf)
    pot = jnp.sum(oh * po, axis=1, keepdims=True)
    pos_ref[...] = (pot + rank).astype(jnp.int32)

    ici = ic.astype(jnp.int32)
    iog = lax.broadcasted_iota(jnp.int32, (128, _E), 0)
    te = jnp.sum((iog >= ici).astype(jnp.int32), axis=1, keepdims=True)
    te_ref[...] = jnp.minimum(te, _E - 1)

    pti = pt
    first_tile = ici - pti
    used = (pti > 0).astype(jnp.int32)
    fb_ref[...] = jnp.sum(((iog == first_tile) & (used == 1)).astype(jnp.int32),
                          axis=1, keepdims=True)
    eo = jnp.sum(((first_tile <= iog) & (used == 1)).astype(jnp.int32),
                 axis=1, keepdims=True) - 1
    eo_ref[...] = jnp.maximum(eo, 0)
    uo = lax.dot_general(used.astype(jnp.float32), tri, (((1,), (0,)), ((), ())),
                         preferred_element_type=jnp.float32).astype(jnp.int32)
    ind = ((iog == (uo - 1)) & (used == 1)).astype(jnp.int32)
    iota_er = lax.broadcasted_iota(jnp.int32, (128, _E), 1)
    el_ref[...] = jnp.sum(ind * iota_er, axis=1, keepdims=True)
    nu_ref[...] = jnp.sum(used, axis=1, keepdims=True)

    g16_ref[...] = jnp.broadcast_to(pm, (T, 128))


_NBUF = 4


def _gmm_body(te_s, fb_s, eo_s, el_s, nu_s, xs_ref, gs_ref, w_hbm, ys_ref,
              w_buf, sems):
    g = pl.program_id(0)
    eo = eo_s[g]
    slot = lax.rem(eo, _NBUF)
    nu = nu_s[0]

    @pl.when(g == 0)
    def _():
        for o in range(_NBUF):
            @pl.when(o < nu)
            def _():
                for h in range(2):
                    pltpu.make_async_copy(
                        w_hbm.at[pl.ds(el_s[o], 1), pl.ds(h * 512, 512)],
                        w_buf.at[pl.ds(o, 1), pl.ds(h * 512, 512)],
                        sems.at[o, h]).start()

    first = fb_s[g] == 1

    @pl.when(jnp.logical_and(first, jnp.logical_and(g > 0,
                                                    eo + _NBUF - 1 < nu)))
    def _():
        issue_ord = eo + _NBUF - 1
        islot = lax.rem(issue_ord, _NBUF)
        for h in range(2):
            pltpu.make_async_copy(
                w_hbm.at[pl.ds(el_s[issue_ord], 1), pl.ds(h * 512, 512)],
                w_buf.at[pl.ds(islot, 1), pl.ds(h * 512, 512)],
                sems.at[islot, h]).start()

    @pl.when(first)
    def _():
        for h in range(2):
            pltpu.make_async_copy(
                w_hbm.at[pl.ds(el_s[eo], 1), pl.ds(h * 512, 512)],
                w_buf.at[pl.ds(slot, 1), pl.ds(h * 512, 512)],
                sems.at[slot, h]).wait()

    w = w_buf[pl.ds(slot, 1), :, :]
    ys_ref[...] = gs_ref[:, :1] * jnp.dot(xs_ref[...], w[0],
                                          preferred_element_type=jnp.float32)


def _sc_gather(table, idx):
    R = idx.shape[0]
    D = table.shape[1]
    per_w = R // _NW
    mesh = plsc.VectorSubcoreMesh(core_axis_name="c", subcore_axis_name="s")

    @functools.partial(
        pl.kernel, mesh=mesh,
        out_type=jax.ShapeDtypeStruct((R, D), jnp.float32),
        scratch_types=[
            pltpu.VMEM((per_w,), jnp.int32),
            pltpu.VMEM((per_w, D), jnp.float32),
            pltpu.SemaphoreType.DMA,
        ])
    def k(table_hbm, idx_hbm, out_hbm, idx_v, rows_v, sem):
        wid = lax.axis_index("s") * 2 + lax.axis_index("c")
        base = wid * per_w
        pltpu.sync_copy(idx_hbm.at[pl.ds(base, per_w)], idx_v)
        pltpu.async_copy(table_hbm.at[idx_v], rows_v, sem).wait()
        pltpu.sync_copy(rows_v, out_hbm.at[pl.ds(base, per_w)])

    return k(table, idx)


def _sc_scatter_dispatch(rows, gates, idx, n_out):
    R, D = rows.shape
    Dg = gates.shape[1]
    per_w = R // _NW
    mesh = plsc.VectorSubcoreMesh(core_axis_name="c", subcore_axis_name="s")

    @functools.partial(
        pl.kernel, mesh=mesh,
        out_type=(jax.ShapeDtypeStruct((n_out, D), jnp.float32),
                  jax.ShapeDtypeStruct((n_out, Dg), jnp.float32)),
        scratch_types=[
            pltpu.VMEM((per_w,), jnp.int32),
            pltpu.VMEM((per_w, D), jnp.float32),
            pltpu.VMEM((per_w, Dg), jnp.float32),
            pltpu.SemaphoreType.DMA,
            pltpu.SemaphoreType.DMA,
        ])
    def k(rows_hbm, g_hbm, idx_hbm, out_hbm, gs_hbm, idx_v, rows_v, g_v,
          sem_r, sem_g):
        wid = lax.axis_index("s") * 2 + lax.axis_index("c")
        base = wid * per_w
        pltpu.sync_copy(rows_hbm.at[pl.ds(base, per_w)], rows_v)
        pltpu.sync_copy(g_hbm.at[pl.ds(base, per_w)], g_v)
        pltpu.sync_copy(idx_hbm.at[pl.ds(base, per_w)], idx_v)
        cp_r = pltpu.async_copy(rows_v, out_hbm.at[idx_v], sem_r)
        cp_g = pltpu.async_copy(g_v, gs_hbm.at[idx_v], sem_g)
        cp_r.wait()
        cp_g.wait()

    return k(rows, gates, idx)


def kernel(x, router_w, expert_weights):
    B, S, H = x.shape
    E, _, D = expert_weights.shape
    T = B * S
    G = T // _M + E
    P = G * _M

    xt = x.reshape(T, H)
    g16, pos, _te, _fb, _eo, _el, _nu = pl.pallas_call(
        _routing_body,
        out_shape=(jax.ShapeDtypeStruct((T, 128), jnp.float32),
                   jax.ShapeDtypeStruct((T, 1), jnp.int32),
                   jax.ShapeDtypeStruct((128, 1), jnp.int32),
                   jax.ShapeDtypeStruct((128, 1), jnp.int32),
                   jax.ShapeDtypeStruct((128, 1), jnp.int32),
                   jax.ShapeDtypeStruct((128, 1), jnp.int32),
                   jax.ShapeDtypeStruct((1, 1), jnp.int32)),
    )(xt, router_w)
    te = _te.reshape(128)[:G]
    fb = _fb.reshape(128)[:G]
    eo = _eo.reshape(128)[:G]
    el = _el.reshape(128)[:E]
    nu = _nu.reshape(1)

    xs, gs = _sc_scatter_dispatch(xt, g16, pos.reshape(T), n_out=P)

    ys = pl.pallas_call(
        _gmm_body,
        grid_spec=pltpu.PrefetchScalarGridSpec(
            num_scalar_prefetch=5,
            grid=(G,),
            in_specs=[
                pl.BlockSpec((_M, H), lambda g, *_: (g, 0)),
                pl.BlockSpec((_M, 128), lambda g, *_: (g, 0)),
                pl.BlockSpec(memory_space=pl.ANY),
            ],
            out_specs=pl.BlockSpec((_M, D), lambda g, *_: (g, 0)),
            scratch_shapes=[
                pltpu.VMEM((_NBUF, H, D), jnp.float32),
                pltpu.SemaphoreType.DMA((_NBUF, 2)),
            ],
        ),
        out_shape=jax.ShapeDtypeStruct((P, D), jnp.float32),
    )(te, fb, eo, el, nu, xs, gs, expert_weights)

    out = _sc_gather(ys, pos.reshape(T))
    return out.reshape(B, S, D)

# --- scband reference (transcript-rebuilt; emitter-appended) ---
"""Pipeline reference for scband-flash-mo-elayer-77146202570781 (READ-ONLY COPY).

The authoritative reference and input builder live on the scoring server;
editing this copy changes nothing except your own understanding.
"""

import jax, jax.numpy as jnp
import numpy as np

HIDDEN = 1024
NUM_EXPERTS = 64
EXPERT_DIM = 1024
TOP_K = 1


def setup_inputs(seed: int = 0) -> dict:
    key = jax.random.key(seed)
    k1, k2, k3 = jax.random.split(key, 3)
    x = jax.random.normal(k1, (1, 2048, HIDDEN), dtype=jnp.float32)
    # router: nn.Linear(hidden_size, num_experts, bias=False) -> weight [E, H]
    router_w = jax.random.normal(k2, (NUM_EXPERTS, HIDDEN), dtype=jnp.float32) * (1.0 / np.sqrt(HIDDEN))
    # expert_weights: Parameter [E, H, D], kaiming-uniform-like scale
    expert_weights = jax.random.normal(k3, (NUM_EXPERTS, HIDDEN, EXPERT_DIM), dtype=jnp.float32) * np.sqrt(2.0 / HIDDEN)
    return {"x": x, "router_w": router_w, "expert_weights": expert_weights}


def fused_moe(tokens, expert_weights, routing_weights, top_k):
    # tokens: [T, H]; expert_weights: [E, H, D]; routing_weights: [T, E]
    T, H = tokens.shape
    E = expert_weights.shape[0]
    D = expert_weights.shape[2]
    topk_w, topk_idx = jax.lax.top_k(routing_weights, top_k)  # [T, k]
    # build per-token combine weights over experts (scatter-add of top-k weights)
    combine = jnp.zeros((T, E), dtype=routing_weights.dtype)
    combine = combine.at[jnp.arange(T)[:, None], topk_idx].add(topk_w)
    out = jnp.zeros((T, D), dtype=tokens.dtype)
    for e in range(E):
        out = out + combine[:, e:e + 1] * (tokens @ expert_weights[e])
    return out


def reference(x, router_w, expert_weights):
    B, S, H = x.shape
    routing_logits = jnp.einsum('bsh,eh->bse', x, router_w)
    routing_weights = jax.nn.softmax(routing_logits, axis=-1)
    tokens_flat = x.reshape(B * S, H)
    routing_weights_flat = routing_weights.reshape(B * S, NUM_EXPERTS)
    output_flat = fused_moe(tokens_flat, expert_weights, routing_weights_flat, TOP_K)
    return output_flat.reshape(B, S, EXPERT_DIM)

if __name__ == "__main__":
    import jax
    _d = setup_inputs()
    print(jax.jit(kernel)(*tuple(_d.values())))

</pallas_src>

<mosaic_0001>
#map = affine_map<(d0, d1) -> (0, 0)>
#map1 = affine_map<(d0, d1) -> (0)>
module attributes {stable_mosaic.version = 14 : i64} {
  func.func @k(%arg0: i32, %arg1: i32, %arg2: memref<10240x1024xf32, #tpu.memory_space<hbm>>, %arg3: memref<2048xi32, #tpu.memory_space<hbm>>, %arg4: memref<2048x1024xf32, #tpu.memory_space<hbm>>, %arg5: memref<64xi32, #tpu.memory_space<vmem>>, %arg6: memref<64x1024xf32, #tpu.memory_space<vmem>>, %arg7: memref<!tpu.dma_semaphore, #tpu.memory_space<semaphore_mem>>) attributes {dimension_semantics = [#tpu.dimension_semantics<core_parallel>, #tpu.dimension_semantics<subcore_parallel>], iteration_bounds = array<i64: 2, 16>, scalar_prefetch = 0 : i64, scratch_operands = 3 : i64, tpu.core_type = #tpu.core_type<sc_vector_subcore>, window_params = [{transform_indices = #map}, {transform_indices = #map1}, {transform_indices = #map}]} {
    %mul3A = arith.constant 2 : i32
    %mul3A_0 = arith.muli %arg1, %mul3A : i32
    %add3A = arith.addi %mul3A_0, %arg0 : i32
    %mul3A_1 = arith.constant 64 : i32
    %mul3A_2 = arith.muli %add3A, %mul3A_1 : i32
    "tpu.region"() ({
      %run_scoped3A = tpu.sem_alloc : memref<!tpu.dma_semaphore, #tpu.memory_space<semaphore_mem>>
      %dma_start3A_7 = tpu.memref_slice %arg3[%mul3A_2] : memref<2048xi32, #tpu.memory_space<hbm>> -> memref<64xi32, #tpu.memory_space<hbm>>
      %dma_start3A_8 = tpu.memref_slice %arg3[%mul3A_2] : memref<2048xi32, #tpu.memory_space<hbm>> -> memref<64xi32, #tpu.memory_space<hbm>>
      tpu.enqueue_dma source(%dma_start3A_8 : memref<64xi32, #tpu.memory_space<hbm>>) target(%arg5 : memref<64xi32, #tpu.memory_space<vmem>>) target_semaphore(%run_scoped3A : memref<!tpu.dma_semaphore, #tpu.memory_space<semaphore_mem>>)
      %dma_wait3A_9 = tpu.memref_slice %arg3[%mul3A_2] : memref<2048xi32, #tpu.memory_space<hbm>> -> memref<64xi32, #tpu.memory_space<hbm>>
      %dma_wait3A_10 = tpu.memref_slice %arg3[%mul3A_2] : memref<2048xi32, #tpu.memory_space<hbm>> -> memref<64xi32, #tpu.memory_space<hbm>>
      tpu.wait_dma2 semaphore(%run_scoped3A : memref<!tpu.dma_semaphore, #tpu.memory_space<semaphore_mem>>) src(%dma_wait3A_10 : memref<64xi32, #tpu.memory_space<hbm>>) dst(%arg5 : memref<64xi32, #tpu.memory_space<vmem>>)
      tpu.yield
    }) : () -> ()
    %dma_start3A = arith.constant 0 : i32
    %dma_start3A_3 = arith.constant 0 : i32
    %dma_start3A_4 = tpu.memref_slice %arg2[%dma_start3A, %dma_start3A_3] : memref<10240x1024xf32, #tpu.memory_space<hbm>> -> memref<10240x1024xf32, #tpu.memory_space<hbm>>
    tpu.enqueue_indirect_dma source(%dma_start3A_4 : memref<10240x1024xf32, #tpu.memory_space<hbm>>) target(%arg6 : memref<64x1024xf32, #tpu.memory_space<vmem>>) offsets(%arg5 : memref<64xi32, #tpu.memory_space<vmem>>) semaphore(%arg7 : memref<!tpu.dma_semaphore, #tpu.memory_space<semaphore_mem>>)
    %dma_wait3A = arith.constant 0 : i32
    %dma_wait3A_5 = arith.constant 0 : i32
    %dma_wait3A_6 = tpu.memref_slice %arg2[%dma_wait3A, %dma_wait3A_5] : memref<10240x1024xf32, #tpu.memory_space<hbm>> -> memref<10240x1024xf32, #tpu.memory_space<hbm>>
    tpu.wait_indirect_dma semaphore(%arg7 : memref<!tpu.dma_semaphore, #tpu.memory_space<semaphore_mem>>) src(%dma_wait3A_6 : memref<10240x1024xf32, #tpu.memory_space<hbm>>) dst(%arg6 : memref<64x1024xf32, #tpu.memory_space<vmem>>)
    "tpu.region"() ({
      %run_scoped3A = tpu.sem_alloc : memref<!tpu.dma_semaphore, #tpu.memory_space<semaphore_mem>>
      %dma_start3A_7 = arith.constant 0 : i32
      %dma_start3A_8 = tpu.memref_slice %arg4[%mul3A_2, %dma_start3A_7] : memref<2048x1024xf32, #tpu.memory_space<hbm>> -> memref<64x1024xf32, #tpu.memory_space<hbm>>
      %dma_start3A_9 = arith.constant 0 : i32
      %dma_start3A_10 = tpu.memref_slice %arg4[%mul3A_2, %dma_start3A_9] : memref<2048x1024xf32, #tpu.memory_space<hbm>> -> memref<64x1024xf32, #tpu.memory_space<hbm>>
      tpu.enqueue_dma source(%arg6 : memref<64x1024xf32, #tpu.memory_space<vmem>>) target(%dma_start3A_10 : memref<64x1024xf32, #tpu.memory_space<hbm>>) target_semaphore(%run_scoped3A : memref<!tpu.dma_semaphore, #tpu.memory_space<semaphore_mem>>)
      %dma_wait3A_11 = arith.constant 0 : i32
      %dma_wait3A_12 = tpu.memref_slice %arg4[%mul3A_2, %dma_wait3A_11] : memref<2048x1024xf32, #tpu.memory_space<hbm>> -> memref<64x1024xf32, #tpu.memory_space<hbm>>
      %dma_wait3A_13 = arith.constant 0 : i32
      %dma_wait3A_14 = tpu.memref_slice %arg4[%mul3A_2, %dma_wait3A_13] : memref<2048x1024xf32, #tpu.memory_space<hbm>> -> memref<64x1024xf32, #tpu.memory_space<hbm>>
      tpu.wait_dma2 semaphore(%run_scoped3A : memref<!tpu.dma_semaphore, #tpu.memory_space<semaphore_mem>>) src(%arg6 : memref<64x1024xf32, #tpu.memory_space<vmem>>) dst(%dma_wait3A_14 : memref<64x1024xf32, #tpu.memory_space<hbm>>)
      tpu.yield
    }) : () -> ()
    return
  }
}

#map = affine_map<(d0, d1) -> (0, 0)>
#map1 = affine_map<(d0, d1) -> (0)>
module attributes {stable_mosaic.version = 14 : i64} {
  func.func @k(%arg0: i32, %arg1: i32, %arg2: memref<2048x1024xf32, #tpu.memory_space<hbm>>, %arg3: memref<2048x128xf32, #tpu.memory_space<hbm>>, %arg4: memref<2048xi32, #tpu.memory_space<hbm>>, %arg5: memref<10240x1024xf32, #tpu.memory_space<hbm>>, %arg6: memref<10240x128xf32, #tpu.memory_space<hbm>>, %arg7: memref<64xi32, #tpu.memory_space<vmem>>, %arg8: memref<64x1024xf32, #tpu.memory_space<vmem>>, %arg9: memref<64x128xf32, #tpu.memory_space<vmem>>, %arg10: memref<!tpu.dma_semaphore, #tpu.memory_space<semaphore_mem>>, %arg11: memref<!tpu.dma_semaphore, #tpu.memory_space<semaphore_mem>>) attributes {dimension_semantics = [#tpu.dimension_semantics<core_parallel>, #tpu.dimension_semantics<subcore_parallel>], iteration_bounds = array<i64: 2, 16>, scalar_prefetch = 0 : i64, scratch_operands = 5 : i64, tpu.core_type = #tpu.core_type<sc_vector_subcore>, window_params = [{transform_indices = #map}, {transform_indices = #map}, {transform_indices = #map1}, {transform_indices = #map}, {transform_indices = #map}]} {
    %mul3A = arith.constant 2 : i32
    %mul3A_0 = arith.muli %arg1, %mul3A : i32
    %add3A = arith.addi %mul3A_0, %arg0 : i32
    %mul3A_1 = arith.constant 64 : i32
    %mul3A_2 = arith.muli %add3A, %mul3A_1 : i32
    "tpu.region"() ({
      %run_scoped3A = tpu.sem_alloc : memref<!tpu.dma_semaphore, #tpu.memory_space<semaphore_mem>>
      %dma_start3A_13 = arith.constant 0 : i32
      %dma_start3A_14 = tpu.memref_slice %arg2[%mul3A_2, %dma_start3A_13] : memref<2048x1024xf32, #tpu.memory_space<hbm>> -> memref<64x1024xf32, #tpu.memory_space<hbm>>
      %dma_start3A_15 = arith.constant 0 : i32
      %dma_start3A_16 = tpu.memref_slice %arg2[%mul3A_2, %dma_start3A_15] : memref<2048x1024xf32, #tpu.memory_space<hbm>> -> memref<64x1024xf32, #tpu.memory_space<hbm>>
      tpu.enqueue_dma source(%dma_start3A_16 : memref<64x1024xf32, #tpu.memory_space<hbm>>) target(%arg8 : memref<64x1024xf32, #tpu.memory_space<vmem>>) target_semaphore(%run_scoped3A : memref<!tpu.dma_semaphore, #tpu.memory_space<semaphore_mem>>)
      %dma_wait3A_17 = arith.constant 0 : i32
      %dma_wait3A_18 = tpu.memref_slice %arg2[%mul3A_2, %dma_wait3A_17] : memref<2048x1024xf32, #tpu.memory_space<hbm>> -> memref<64x1024xf32, #tpu.memory_space<hbm>>
      %dma_wait3A_19 = arith.constant 0 : i32
      %dma_wait3A_20 = tpu.memref_slice %arg2[%mul3A_2, %dma_wait3A_19] : memref<2048x1024xf32, #tpu.memory_space<hbm>> -> memref<64x1024xf32, #tpu.memory_space<hbm>>
      tpu.wait_dma2 semaphore(%run_scoped3A : memref<!tpu.dma_semaphore, #tpu.memory_space<semaphore_mem>>) src(%dma_wait3A_20 : memref<64x1024xf32, #tpu.memory_space<hbm>>) dst(%arg8 : memref<64x1024xf32, #tpu.memory_space<vmem>>)
      tpu.yield
    }) : () -> ()
    "tpu.region"() ({
      %run_scoped3A = tpu.sem_alloc : memref<!tpu.dma_semaphore, #tpu.memory_space<semaphore_mem>>
      %dma_start3A_13 = arith.constant 0 : i32
      %dma_start3A_14 = tpu.memref_slice %arg3[%mul3A_2, %dma_start3A_13] : memref<2048x128xf32, #tpu.memory_space<hbm>> -> memref<64x128xf32, #tpu.memory_space<hbm>>
      %dma_start3A_15 = arith.constant 0 : i32
      %dma_start3A_16 = tpu.memref_slice %arg3[%mul3A_2, %dma_start3A_15] : memref<2048x128xf32, #tpu.memory_space<hbm>> -> memref<64x128xf32, #tpu.memory_space<hbm>>
      tpu.enqueue_dma source(%dma_start3A_16 : memref<64x128xf32, #tpu.memory_space<hbm>>) target(%arg9 : memref<64x128xf32, #tpu.memory_space<vmem>>) target_semaphore(%run_scoped3A : memref<!tpu.dma_semaphore, #tpu.memory_space<semaphore_mem>>)
      %dma_wait3A_17 = arith.constant 0 : i32
      %dma_wait3A_18 = tpu.memref_slice %arg3[%mul3A_2, %dma_wait3A_17] : memref<2048x128xf32, #tpu.memory_space<hbm>> -> memref<64x128xf32, #tpu.memory_space<hbm>>
      %dma_wait3A_19 = arith.constant 0 : i32
      %dma_wait3A_20 = tpu.memref_slice %arg3[%mul3A_2, %dma_wait3A_19] : memref<2048x128xf32, #tpu.memory_space<hbm>> -> memref<64x128xf32, #tpu.memory_space<hbm>>
      tpu.wait_dma2 semaphore(%run_scoped3A : memref<!tpu.dma_semaphore, #tpu.memory_space<semaphore_mem>>) src(%dma_wait3A_20 : memref<64x128xf32, #tpu.memory_space<hbm>>) dst(%arg9 : memref<64x128xf32, #tpu.memory_space<vmem>>)
      tpu.yield
    }) : () -> ()
    "tpu.region"() ({
      %run_scoped3A = tpu.sem_alloc : memref<!tpu.dma_semaphore, #tpu.memory_space<semaphore_mem>>
      %dma_start3A_13 = tpu.memref_slice %arg4[%mul3A_2] : memref<2048xi32, #tpu.memory_space<hbm>> -> memref<64xi32, #tpu.memory_space<hbm>>
      %dma_start3A_14 = tpu.memref_slice %arg4[%mul3A_2] : memref<2048xi32, #tpu.memory_space<hbm>> -> memref<64xi32, #tpu.memory_space<hbm>>
      tpu.enqueue_dma source(%dma_start3A_14 : memref<64xi32, #tpu.memory_space<hbm>>) target(%arg7 : memref<64xi32, #tpu.memory_space<vmem>>) target_semaphore(%run_scoped3A : memref<!tpu.dma_semaphore, #tpu.memory_space<semaphore_mem>>)
      %dma_wait3A_15 = tpu.memref_slice %arg4[%mul3A_2] : memref<2048xi32, #tpu.memory_space<hbm>> -> memref<64xi32, #tpu.memory_space<hbm>>
      %dma_wait3A_16 = tpu.memref_slice %arg4[%mul3A_2] : memref<2048xi32, #tpu.memory_space<hbm>> -> memref<64xi32, #tpu.memory_space<hbm>>
      tpu.wait_dma2 semaphore(%run_scoped3A : memref<!tpu.dma_semaphore, #tpu.memory_space<semaphore_mem>>) src(%dma_wait3A_16 : memref<64xi32, #tpu.memory_space<hbm>>) dst(%arg7 : memref<64xi32, #tpu.memory_space<vmem>>)
      tpu.yield
    }) : () -> ()
    %dma_start3A = arith.constant 0 : i32
    %dma_start3A_3 = arith.constant 0 : i32
    %dma_start3A_4 = tpu.memref_slice %arg5[%dma_start3A, %dma_start3A_3] : memref<10240x1024xf32, #tpu.memory_space<hbm>> -> memref<10240x1024xf32, #tpu.memory_space<hbm>>
    tpu.enqueue_indirect_dma source(%arg8 : memref<64x1024xf32, #tpu.memory_space<vmem>>) target(%dma_start3A_4 : memref<10240x1024xf32, #tpu.memory_space<hbm>>) offsets(%arg7 : memref<64xi32, #tpu.memory_space<vmem>>) semaphore(%arg10 : memref<!tpu.dma_semaphore, #tpu.memory_space<semaphore_mem>>)
    %dma_start3A_5 = arith.constant 0 : i32
    %dma_start3A_6 = arith.constant 0 : i32
    %dma_start3A_7 = tpu.memref_slice %arg6[%dma_start3A_5, %dma_start3A_6] : memref<10240x128xf32, #tpu.memory_space<hbm>> -> memref<10240x128xf32, #tpu.memory_space<hbm>>
    tpu.enqueue_indirect_dma source(%arg9 : memref<64x128xf32, #tpu.memory_space<vmem>>) target(%dma_start3A_7 : memref<10240x128xf32, #tpu.memory_space<hbm>>) offsets(%arg7 : memref<64xi32, #tpu.memory_space<vmem>>) semaphore(%arg11 : memref<!tpu.dma_semaphore, #tpu.memory_space<semaphore_mem>>)
    %dma_wait3A = arith.constant 0 : i32
    %dma_wait3A_8 = arith.constant 0 : i32
    %dma_wait3A_9 = tpu.memref_slice %arg5[%dma_wait3A, %dma_wait3A_8] : memref<10240x1024xf32, #tpu.memory_space<hbm>> -> memref<10240x1024xf32, #tpu.memory_space<hbm>>
    tpu.wait_indirect_dma semaphore(%arg10 : memref<!tpu.dma_semaphore, #tpu.memory_space<semaphore_mem>>) src(%arg8 : memref<64x1024xf32, #tpu.memory_space<vmem>>) dst(%dma_wait3A_9 : memref<10240x1024xf32, #tpu.memory_space<hbm>>)
    %dma_wait3A_10 = arith.constant 0 : i32
    %dma_wait3A_11 = arith.constant 0 : i32
    %dma_wait3A_12 = tpu.memref_slice %arg6[%dma_wait3A_10, %dma_wait3A_11] : memref<10240x128xf32, #tpu.memory_space<hbm>> -> memref<10240x128xf32, #tpu.memory_space<hbm>>
    tpu.wait_indirect_dma semaphore(%arg11 : memref<!tpu.dma_semaphore, #tpu.memory_space<semaphore_mem>>) src(%arg9 : memref<64x128xf32, #tpu.memory_space<vmem>>) dst(%dma_wait3A_12 : memref<10240x128xf32, #tpu.memory_space<hbm>>)
    return
  }
}

module attributes {stable_mosaic.version = 14 : i64} {
  func.func @_routing_body(%arg0: memref<2048x1024xf32, #tpu.memory_space<vmem>>, %arg1: memref<64x1024xf32, #tpu.memory_space<vmem>>, %arg2: memref<2048x128xf32, #tpu.memory_space<vmem>>, %arg3: memref<2048x1xi32, #tpu.memory_space<vmem>>, %arg4: memref<128x1xi32, #tpu.memory_space<vmem>>, %arg5: memref<128x1xi32, #tpu.memory_space<vmem>>, %arg6: memref<128x1xi32, #tpu.memory_space<vmem>>, %arg7: memref<128x1xi32, #tpu.memory_space<vmem>>, %arg8: memref<1x1xi32, #tpu.memory_space<vmem>>) attributes {dimension_semantics = [], scalar_prefetch = 0 : i64, scratch_operands = 0 : i64, tpu.core_type = #tpu.core_type<tc>} {
    %get3A = arith.constant 0 : index
    %get3A_0 = arith.constant 0 : index
    %get3A_1 = vector.load %arg0[%get3A, %get3A_0] : memref<2048x1024xf32, #tpu.memory_space<vmem>>, vector<2048x1024xf32>
    %get3A_2 = arith.constant 0 : index
    %get3A_3 = arith.constant 0 : index
    %get3A_4 = vector.load %arg1[%get3A_2, %get3A_3] : memref<64x1024xf32, #tpu.memory_space<vmem>>, vector<64x1024xf32>
    %dot_general3A = arith.constant dense<0.000000e+00> : vector<2048x64xf32>
    %dot_general3A_5 = tpu.matmul %get3A_1, %get3A_4, %dot_general3A {dimension_numbers = #tpu.dot_dimension_numbers<[1], [1], [0], [0], [0, 0, 1, 0], [], []>, transpose_lhs_hint = false} : vector<2048x1024xf32>, vector<64x1024xf32>, vector<2048x64xf32> -> vector<2048x64xf32>
    %reduce_max3A = arith.constant dense<0xFF800000> : vector<2048xf32>
    %reduce_max3A_6 = vector.multi_reduction <maximumf>, %dot_general3A_5, %reduce_max3A [1] : vector<2048x64xf32> to vector<2048xf32>
    %broadcast_in_dim3A = vector.shape_cast %reduce_max3A_6 : vector<2048xf32> to vector<2048x1xf32>
    %sub3A = vector.broadcast %broadcast_in_dim3A : vector<2048x1xf32> to vector<2048x64xf32>
    %sub3A_7 = arith.subf %dot_general3A_5, %sub3A : vector<2048x64xf32>
    %exp3A = math.exp %sub3A_7 : vector<2048x64xf32>
    %reduce_sum3A = arith.constant dense<0.000000e+00> : vector<2048xf32>
    %reduce_sum3A_8 = vector.multi_reduction <add>, %exp3A, %reduce_sum3A [1] : vector<2048x64xf32> to vector<2048xf32>
    %broadcast_in_dim3A_9 = vector.shape_cast %reduce_sum3A_8 : vector<2048xf32> to vector<2048x1xf32>
    %div3A = vector.broadcast %broadcast_in_dim3A_9 : vector<2048x1xf32> to vector<2048x64xf32>
    %div3A_10 = arith.divf %exp3A, %div3A : vector<2048x64xf32>
    %reduce_max3A_11 = arith.constant dense<0xFF800000> : vector<2048xf32>
    %reduce_max3A_12 = vector.multi_reduction <maximumf>, %div3A_10, %reduce_max3A_11 [1] : vector<2048x64xf32> to vector<2048xf32>
    %broadcast_in_dim3A_13 = vector.shape_cast %reduce_max3A_12 : vector<2048xf32> to vector<2048x1xf32>
    %iota3A = tpu.iota {dimensions = array<i32: 1>} : vector<2048x64xi32>
    %eq3A = vector.broadcast %broadcast_in_dim3A_13 : vector<2048x1xf32> to vector<2048x64xf32>
    %eq3A_14 = arith.cmpf oeq, %div3A_10, %eq3A : vector<2048x64xf32>
    %jit3A = arith.constant 64 : i32
    %broadcast_in_dim3A_15 = vector.broadcast %jit3A : i32 to vector<2048x64xi32>
    %select_n3A = arith.select %eq3A_14, %iota3A, %broadcast_in_dim3A_15 : vector<2048x64xi1>, vector<2048x64xi32>
    %reduce_min3A = arith.constant dense<2147483647> : vector<2048xi32>
    %reduce_min3A_16 = vector.multi_reduction <minsi>, %select_n3A, %reduce_min3A [1] : vector<2048x64xi32> to vector<2048xi32>
    %broadcast_in_dim3A_17 = vector.shape_cast %reduce_min3A_16 : vector<2048xi32> to vector<2048x1xi32>
    %eq3A_18 = vector.broadcast %broadcast_in_dim3A_17 : vector<2048x1xi32> to vector<2048x64xi32>
    %eq3A_19 = arith.cmpi eq, %iota3A, %eq3A_18 : vector<2048x64xi32>
    %convert_element_type3A = arith.extui %eq3A_19 : vector<2048x64xi1> to vector<2048x64xi32>
    %convert_element_type3A_20 = arith.sitofp %convert_element_type3A : vector<2048x64xi32> to vector<2048x64xf32>
    %broadcast_in_dim3A_21 = arith.constant 0.000000e+00 : f32
    %broadcast_in_dim3A_22 = vector.broadcast %broadcast_in_dim3A_21 : f32 to vector<1x64xf32>
    %slice3A = vector.extract_strided_slice %convert_element_type3A_20 {offsets = [0, 0], sizes = [2047, 64], strides = [1, 1]} : vector<2048x64xf32> to vector<2047x64xf32>
    %concatenate3A = tpu.concatenate %broadcast_in_dim3A_22, %slice3A in 0 : vector<1x64xf32>, vector<2047x64xf32> -> vector<2048x64xf32>
    %add3A = arith.addf %convert_element_type3A_20, %concatenate3A : vector<2048x64xf32>
    %broadcast_in_dim3A_23 = arith.constant 0.000000e+00 : f32
    %broadcast_in_dim3A_24 = vector.broadcast %broadcast_in_dim3A_23 : f32 to vector<2x64xf32>
    %slice3A_25 = vector.extract_strided_slice %add3A {offsets = [0, 0], sizes = [2046, 64], strides = [1, 1]} : vector<2048x64xf32> to vector<2046x64xf32>
    %concatenate3A_26 = tpu.concatenate %broadcast_in_dim3A_24, %slice3A_25 in 0 : vector<2x64xf32>, vector<2046x64xf32> -> vector<2048x64xf32>
    %add3A_27 = arith.addf %add3A, %concatenate3A_26 : vector<2048x64xf32>
    %broadcast_in_dim3A_28 = arith.constant 0.000000e+00 : f32
    %broadcast_in_dim3A_29 = vector.broadcast %broadcast_in_dim3A_28 : f32 to vector<4x64xf32>
    %slice3A_30 = vector.extract_strided_slice %add3A_27 {offsets = [0, 0], sizes = [2044, 64], strides = [1, 1]} : vector<2048x64xf32> to vector<2044x64xf32>
    %concatenate3A_31 = tpu.concatenate %broadcast_in_dim3A_29, %slice3A_30 in 0 : vector<4x64xf32>, vector<2044x64xf32> -> vector<2048x64xf32>
    %add3A_32 = arith.addf %add3A_27, %concatenate3A_31 : vector<2048x64xf32>
    %broadcast_in_dim3A_33 = arith.constant 0.000000e+00 : f32
    %broadcast_in_dim3A_34 = vector.broadcast %broadcast_in_dim3A_33 : f32 to vector<8x64xf32>
    %slice3A_35 = vector.extract_strided_slice %add3A_32 {offsets = [0, 0], sizes = [2040, 64], strides = [1, 1]} : vector<2048x64xf32> to vector<2040x64xf32>
    %concatenate3A_36 = tpu.concatenate %broadcast_in_dim3A_34, %slice3A_35 in 0 : vector<8x64xf32>, vector<2040x64xf32> -> vector<2048x64xf32>
    %add3A_37 = arith.addf %add3A_32, %concatenate3A_36 : vector<2048x64xf32>
    %broadcast_in_dim3A_38 = arith.constant 0.000000e+00 : f32
    %broadcast_in_dim3A_39 = vector.broadcast %broadcast_in_dim3A_38 : f32 to vector<16x64xf32>
    %slice3A_40 = vector.extract_strided_slice %add3A_37 {offsets = [0, 0], sizes = [2032, 64], strides = [1, 1]} : vector<2048x64xf32> to vector<2032x64xf32>
    %concatenate3A_41 = tpu.concatenate %broadcast_in_dim3A_39, %slice3A_40 in 0 : vector<16x64xf32>, vector<2032x64xf32> -> vector<2048x64xf32>
    %add3A_42 = arith.addf %add3A_37, %concatenate3A_41 : vector<2048x64xf32>
    %broadcast_in_dim3A_43 = arith.constant 0.000000e+00 : f32
    %broadcast_in_dim3A_44 = vector.broadcast %broadcast_in_dim3A_43 : f32 to vector<32x64xf32>
    %slice3A_45 = vector.extract_strided_slice %add3A_42 {offsets = [0, 0], sizes = [2016, 64], strides = [1, 1]} : vector<2048x64xf32> to vector<2016x64xf32>
    %concatenate3A_46 = tpu.concatenate %broadcast_in_dim3A_44, %slice3A_45 in 0 : vector<32x64xf32>, vector<2016x64xf32> -> vector<2048x64xf32>
    %add3A_47 = arith.addf %add3A_42, %concatenate3A_46 : vector<2048x64xf32>
    %broadcast_in_dim3A_48 = arith.constant 0.000000e+00 : f32
    %broadcast_in_dim3A_49 = vector.broadcast %broadcast_in_dim3A_48 : f32 to vector<64x64xf32>
    %slice3A_50 = vector.extract_strided_slice %add3A_47 {offsets = [0, 0], sizes = [1984, 64], strides = [1, 1]} : vector<2048x64xf32> to vector<1984x64xf32>
    %concatenate3A_51 = tpu.concatenate %broadcast_in_dim3A_49, %slice3A_50 in 0 : vector<64x64xf32>, vector<1984x64xf32> -> vector<2048x64xf32>
    %add3A_52 = arith.addf %add3A_47, %concatenate3A_51 : vector<2048x64xf32>
    %broadcast_in_dim3A_53 = arith.constant 0.000000e+00 : f32
    %broadcast_in_dim3A_54 = vector.broadcast %broadcast_in_dim3A_53 : f32 to vector<128x64xf32>
    %slice3A_55 = vector.extract_strided_slice %add3A_52 {offsets = [0, 0], sizes = [1920, 64], strides = [1, 1]} : vector<2048x64xf32> to vector<1920x64xf32>
    %concatenate3A_56 = tpu.concatenate %broadcast_in_dim3A_54, %slice3A_55 in 0 : vector<128x64xf32>, vector<1920x64xf32> -> vector<2048x64xf32>
    %add3A_57 = arith.addf %add3A_52, %concatenate3A_56 : vector<2048x64xf32>
    %broadcast_in_dim3A_58 = arith.constant 0.000000e+00 : f32
    %broadcast_in_dim3A_59 = vector.broadcast %broadcast_in_dim3A_58 : f32 to vector<256x64xf32>
    %slice3A_60 = vector.extract_strided_slice %add3A_57 {offsets = [0, 0], sizes = [1792, 64], strides = [1, 1]} : vector<2048x64xf32> to vector<1792x64xf32>
    %concatenate3A_61 = tpu.concatenate %broadcast_in_dim3A_59, %slice3A_60 in 0 : vector<256x64xf32>, vector<1792x64xf32> -> vector<2048x64xf32>
    %add3A_62 = arith.addf %add3A_57, %concatenate3A_61 : vector<2048x64xf32>
    %broadcast_in_dim3A_63 = arith.constant 0.000000e+00 : f32
    %broadcast_in_dim3A_64 = vector.broadcast %broadcast_in_dim3A_63 : f32 to vector<512x64xf32>
    %slice3A_65 = vector.extract_strided_slice %add3A_62 {offsets = [0, 0], sizes = [1536, 64], strides = [1, 1]} : vector<2048x64xf32> to vector<1536x64xf32>
    %concatenate3A_66 = tpu.concatenate %broadcast_in_dim3A_64, %slice3A_65 in 0 : vector<512x64xf32>, vector<1536x64xf32> -> vector<2048x64xf32>
    %add3A_67 = arith.addf %add3A_62, %concatenate3A_66 : vector<2048x64xf32>
    %broadcast_in_dim3A_68 = arith.constant 0.000000e+00 : f32
    %broadcast_in_dim3A_69 = vector.broadcast %broadcast_in_dim3A_68 : f32 to vector<1024x64xf32>
    %slice3A_70 = vector.extract_strided_slice %add3A_67 {offsets = [0, 0], sizes = [1024, 64], strides = [1, 1]} : vector<2048x64xf32> to vector<1024x64xf32>
    %concatenate3A_71 = tpu.concatenate %broadcast_in_dim3A_69, %slice3A_70 in 0 : vector<1024x64xf32>, vector<1024x64xf32> -> vector<2048x64xf32>
    %add3A_72 = arith.addf %add3A_67, %concatenate3A_71 : vector<2048x64xf32>
    %mul3A = arith.mulf %add3A_72, %convert_element_type3A_20 : vector<2048x64xf32>
    %reduce_sum3A_73 = arith.constant dense<0.000000e+00> : vector<2048xf32>
    %reduce_sum3A_74 = vector.multi_reduction <add>, %mul3A, %reduce_sum3A_73 [1] : vector<2048x64xf32> to vector<2048xf32>
    %broadcast_in_dim3A_75 = vector.shape_cast %reduce_sum3A_74 : vector<2048xf32> to vector<2048x1xf32>
    %sub3A_76 = arith.constant 1.000000e+00 : f32
    %sub3A_77 = vector.broadcast %sub3A_76 : f32 to vector<2048x1xf32>
    %sub3A_78 = arith.subf %broadcast_in_dim3A_75, %sub3A_77 : vector<2048x1xf32>
    %reduce_sum3A_79 = arith.constant dense<0.000000e+00> : vector<64xf32>
    %reduce_sum3A_80 = vector.multi_reduction <add>, %convert_element_type3A_20, %reduce_sum3A_79 [0] : vector<2048x64xf32> to vector<64xf32>
    %broadcast_in_dim3A_81 = vector.shape_cast %reduce_sum3A_80 : vector<64xf32> to vector<1x64xf32>
    %convert_element_type3A_82 = arith.fptosi %broadcast_in_dim3A_81 : vector<1x64xf32> to vector<1x64xi32>
    %add3A_83 = arith.constant 127 : i32
    %add3A_84 = vector.broadcast %add3A_83 : i32 to vector<1x64xi32>
    %add3A_85 = arith.addi %convert_element_type3A_82, %add3A_84 : vector<1x64xi32>
    %jit3A_86 = arith.constant 128 : i32
    %div3A_87 = vector.broadcast %jit3A_86 : i32 to vector<1x64xi32>
    %div3A_88 = arith.divsi %add3A_85, %div3A_87 : vector<1x64xi32>
    %sign3A = arith.constant 0 : i32
    %sign3A_89 = vector.broadcast %sign3A : i32 to vector<1x64xi32>
    %sign3A_90 = arith.cmpi sgt, %add3A_85, %sign3A_89 : vector<1x64xi32>
    %sign3A_91 = arith.extui %sign3A_90 : vector<1x64xi1> to vector<1x64xi32>
    %sign3A_92 = arith.constant 0 : i32
    %sign3A_93 = vector.broadcast %sign3A_92 : i32 to vector<1x64xi32>
    %sign3A_94 = arith.cmpi slt, %add3A_85, %sign3A_93 : vector<1x64xi32>
    %sign3A_95 = arith.extui %sign3A_94 : vector<1x64xi1> to vector<1x64xi32>
    %sign3A_96 = arith.subi %sign3A_91, %sign3A_95 : vector<1x64xi32>
    %sign3A_97 = arith.constant 0 : i32
    %sign3A_98 = arith.cmpi sgt, %jit3A_86, %sign3A_97 : i32
    %sign3A_99 = arith.extui %sign3A_98 : i1 to i32
    %sign3A_100 = arith.constant 0 : i32
    %sign3A_101 = arith.cmpi slt, %jit3A_86, %sign3A_100 : i32
    %sign3A_102 = arith.extui %sign3A_101 : i1 to i32
    %sign3A_103 = arith.subi %sign3A_99, %sign3A_102 : i32
    %ne3A = vector.broadcast %sign3A_103 : i32 to vector<1x64xi32>
    %ne3A_104 = arith.cmpi ne, %sign3A_96, %ne3A : vector<1x64xi32>
    %rem3A = vector.broadcast %jit3A_86 : i32 to vector<1x64xi32>
    %rem3A_105 = arith.remsi %add3A_85, %rem3A : vector<1x64xi32>
    %ne3A_106 = arith.constant 0 : i32
    %ne3A_107 = vector.broadcast %ne3A_106 : i32 to vector<1x64xi32>
    %ne3A_108 = arith.cmpi ne, %rem3A_105, %ne3A_107 : vector<1x64xi32>
    %and3A = arith.andi %ne3A_104, %ne3A_108 : vector<1x64xi1>
    %sub3A_109 = arith.constant 1 : i32
    %sub3A_110 = vector.broadcast %sub3A_109 : i32 to vector<1x64xi32>
    %sub3A_111 = arith.subi %div3A_88, %sub3A_110 : vector<1x64xi32>
    %select_n3A_112 = arith.select %and3A, %sub3A_111, %div3A_88 : vector<1x64xi1>, vector<1x64xi32>
    %convert_element_type3A_113 = arith.sitofp %select_n3A_112 : vector<1x64xi32> to vector<1x64xf32>
    %iota3A_114 = tpu.iota {dimensions = array<i32: 0>} : vector<64x64xi32>
    %iota3A_115 = tpu.iota {dimensions = array<i32: 1>} : vector<64x64xi32>
    %le3A = arith.cmpi sle, %iota3A_114, %iota3A_115 : vector<64x64xi32>
    %convert_element_type3A_116 = arith.extui %le3A : vector<64x64xi1> to vector<64x64xi32>
    %convert_element_type3A_117 = arith.sitofp %convert_element_type3A_116 : vector<64x64xi32> to vector<64x64xf32>
    %dot_general3A_118 = arith.constant dense<0.000000e+00> : vector<1x64xf32>
    %dot_general3A_119 = tpu.matmul %convert_element_type3A_113, %convert_element_type3A_117, %dot_general3A_118 {dimension_numbers = #tpu.dot_dimension_numbers<[1], [0], [0], [1], [0, 0, 1, 1], [], []>, transpose_lhs_hint = false} : vector<1x64xf32>, vector<64x64xf32>, vector<1x64xf32> -> vector<1x64xf32>
    %sub3A_120 = arith.subf %dot_general3A_119, %convert_element_type3A_113 : vector<1x64xf32>
    %mul3A_121 = arith.constant 1.280000e+02 : f32
    %mul3A_122 = vector.broadcast %mul3A_121 : f32 to vector<1x64xf32>
    %mul3A_123 = arith.mulf %mul3A_122, %sub3A_120 : vector<1x64xf32>
    %mul3A_124 = vector.broadcast %mul3A_123 : vector<1x64xf32> to vector<2048x64xf32>
    %mul3A_125 = arith.mulf %convert_element_type3A_20, %mul3A_124 : vector<2048x64xf32>
    %reduce_sum3A_126 = arith.constant dense<0.000000e+00> : vector<2048xf32>
    %reduce_sum3A_127 = vector.multi_reduction <add>, %mul3A_125, %reduce_sum3A_126 [1] : vector<2048x64xf32> to vector<2048xf32>
    %broadcast_in_dim3A_128 = vector.shape_cast %reduce_sum3A_127 : vector<2048xf32> to vector<2048x1xf32>
    %add3A_129 = arith.addf %broadcast_in_dim3A_128, %sub3A_78 : vector<2048x1xf32>
    %convert_element_type3A_130 = arith.fptosi %add3A_129 : vector<2048x1xf32> to vector<2048x1xi32>
    %swap3A = arith.constant 0 : index
    %swap3A_131 = arith.constant 0 : index
    %swap3A_132 = vector.load %arg3[%swap3A, %swap3A_131] : memref<2048x1xi32, #tpu.memory_space<vmem>>, vector<2048x1xi32>
    tpu.vector_store %arg3[%swap3A, %swap3A_131], %convert_element_type3A_130 {strides = array<i32>} : memref<2048x1xi32, #tpu.memory_space<vmem>>, vector<2048x1xi32>,
    %convert_element_type3A_133 = arith.fptosi %dot_general3A_119 : vector<1x64xf32> to vector<1x64xi32>
    %iota3A_134 = tpu.iota {dimensions = array<i32: 0>} : vector<128x64xi32>
    %ge3A = vector.broadcast %convert_element_type3A_133 : vector<1x64xi32> to vector<128x64xi32>
    %ge3A_135 = arith.cmpi sge, %iota3A_134, %ge3A : vector<128x64xi32>
    %convert_element_type3A_136 = arith.extui %ge3A_135 : vector<128x64xi1> to vector<128x64xi32>
    %reduce_sum3A_137 = arith.constant dense<0> : vector<128xi32>
    %reduce_sum3A_138 = vector.multi_reduction <add>, %convert_element_type3A_136, %reduce_sum3A_137 [1] : vector<128x64xi32> to vector<128xi32>
    %broadcast_in_dim3A_139 = vector.shape_cast %reduce_sum3A_138 : vector<128xi32> to vector<128x1xi32>
    %min3A = arith.constant 63 : i32
    %min3A_140 = vector.broadcast %min3A : i32 to vector<128x1xi32>
    %min3A_141 = arith.minsi %broadcast_in_dim3A_139, %min3A_140 : vector<128x1xi32>
    %swap3A_142 = arith.constant 0 : index
    %swap3A_143 = arith.constant 0 : index
    %swap3A_144 = vector.load %arg4[%swap3A_142, %swap3A_143] : memref<128x1xi32, #tpu.memory_space<vmem>>, vector<128x1xi32>
    tpu.vector_store %arg4[%swap3A_142, %swap3A_143], %min3A_141 {strides = array<i32>} : memref<128x1xi32, #tpu.memory_space<vmem>>, vector<128x1xi32>,
    %sub3A_145 = arith.subi %convert_element_type3A_133, %select_n3A_112 : vector<1x64xi32>
    %gt3A = arith.constant 0 : i32
    %gt3A_146 = vector.broadcast %gt3A : i32 to vector<1x64xi32>
    %gt3A_147 = arith.cmpi sgt, %select_n3A_112, %gt3A_146 : vector<1x64xi32>
    %convert_element_type3A_148 = arith.extui %gt3A_147 : vector<1x64xi1> to vector<1x64xi32>
    %eq3A_149 = vector.broadcast %sub3A_145 : vector<1x64xi32> to vector<128x64xi32>
    %eq3A_150 = arith.cmpi eq, %iota3A_134, %eq3A_149 : vector<128x64xi32>
    %eq3A_151 = arith.constant 1 : i32
    %eq3A_152 = vector.broadcast %eq3A_151 : i32 to vector<1x64xi32>
    %eq3A_153 = arith.cmpi eq, %convert_element_type3A_148, %eq3A_152 : vector<1x64xi32>
    %and3A_154 = vector.broadcast %eq3A_153 : vector<1x64xi1> to vector<128x64xi1>
    %and3A_155 = arith.andi %eq3A_150, %and3A_154 : vector<128x64xi1>
    %convert_element_type3A_156 = arith.extui %and3A_155 : vector<128x64xi1> to vector<128x64xi32>
    %reduce_sum3A_157 = arith.constant dense<0> : vector<128xi32>
    %reduce_sum3A_158 = vector.multi_reduction <add>, %convert_element_type3A_156, %reduce_sum3A_157 [1] : vector<128x64xi32> to vector<128xi32>
    %broadcast_in_dim3A_159 = vector.shape_cast %reduce_sum3A_158 : vector<128xi32> to vector<128x1xi32>
    %swap3A_160 = arith.constant 0 : index
    %swap3A_161 = arith.constant 0 : index
    %swap3A_162 = vector.load %arg5[%swap3A_160, %swap3A_161] : memref<128x1xi32, #tpu.memory_space<vmem>>, vector<128x1xi32>
    tpu.vector_store %arg5[%swap3A_160, %swap3A_161], %broadcast_in_dim3A_159 {strides = array<i32>} : memref<128x1xi32, #tpu.memory_space<vmem>>, vector<128x1xi32>,
    %le3A_163 = vector.broadcast %sub3A_145 : vector<1x64xi32> to vector<128x64xi32>
    %le3A_164 = arith.cmpi sle, %le3A_163, %iota3A_134 : vector<128x64xi32>
    %eq3A_165 = arith.constant 1 : i32
    %eq3A_166 = vector.broadcast %eq3A_165 : i32 to vector<1x64xi32>
    %eq3A_167 = arith.cmpi eq, %convert_element_type3A_148, %eq3A_166 : vector<1x64xi32>
    %and3A_168 = vector.broadcast %eq3A_167 : vector<1x64xi1> to vector<128x64xi1>
    %and3A_169 = arith.andi %le3A_164, %and3A_168 : vector<128x64xi1>
    %convert_element_type3A_170 = arith.extui %and3A_169 : vector<128x64xi1> to vector<128x64xi32>
    %reduce_sum3A_171 = arith.constant dense<0> : vector<128xi32>
    %reduce_sum3A_172 = vector.multi_reduction <add>, %convert_element_type3A_170, %reduce_sum3A_171 [1] : vector<128x64xi32> to vector<128xi32>
    %broadcast_in_dim3A_173 = vector.shape_cast %reduce_sum3A_172 : vector<128xi32> to vector<128x1xi32>
    %sub3A_174 = arith.constant 1 : i32
    %sub3A_175 = vector.broadcast %sub3A_174 : i32 to vector<128x1xi32>
    %sub3A_176 = arith.subi %broadcast_in_dim3A_173, %sub3A_175 : vector<128x1xi32>
    %max3A = arith.constant 0 : i32
    %max3A_177 = vector.broadcast %max3A : i32 to vector<128x1xi32>
    %max3A_178 = arith.maxsi %sub3A_176, %max3A_177 : vector<128x1xi32>
    %swap3A_179 = arith.constant 0 : index
    %swap3A_180 = arith.constant 0 : index
    %swap3A_181 = vector.load %arg6[%swap3A_179, %swap3A_180] : memref<128x1xi32, #tpu.memory_space<vmem>>, vector<128x1xi32>
    tpu.vector_store %arg6[%swap3A_179, %swap3A_180], %max3A_178 {strides = array<i32>} : memref<128x1xi32, #tpu.memory_space<vmem>>, vector<128x1xi32>,
    %convert_element_type3A_182 = arith.sitofp %convert_element_type3A_148 : vector<1x64xi32> to vector<1x64xf32>
    %dot_general3A_183 = arith.constant dense<0.000000e+00> : vector<1x64xf32>
    %dot_general3A_184 = tpu.matmul %convert_element_type3A_182, %convert_element_type3A_117, %dot_general3A_183 {dimension_numbers = #tpu.dot_dimension_numbers<[1], [0], [0], [1], [0, 0, 1, 1], [], []>, transpose_lhs_hint = false} : vector<1x64xf32>, vector<64x64xf32>, vector<1x64xf32> -> vector<1x64xf32>
    %convert_element_type3A_185 = arith.fptosi %dot_general3A_184 : vector<1x64xf32> to vector<1x64xi32>
    %sub3A_186 = arith.constant 1 : i32
    %sub3A_187 = vector.broadcast %sub3A_186 : i32 to vector<1x64xi32>
    %sub3A_188 = arith.subi %convert_element_type3A_185, %sub3A_187 : vector<1x64xi32>
    %eq3A_189 = vector.broadcast %sub3A_188 : vector<1x64xi32> to vector<128x64xi32>
    %eq3A_190 = arith.cmpi eq, %iota3A_134, %eq3A_189 : vector<128x64xi32>
    %eq3A_191 = arith.constant 1 : i32
    %eq3A_192 = vector.broadcast %eq3A_191 : i32 to vector<1x64xi32>
    %eq3A_193 = arith.cmpi eq, %convert_element_type3A_148, %eq3A_192 : vector<1x64xi32>
    %and3A_194 = vector.broadcast %eq3A_193 : vector<1x64xi1> to vector<128x64xi1>
    %and3A_195 = arith.andi %eq3A_190, %and3A_194 : vector<128x64xi1>
    %convert_element_type3A_196 = arith.extui %and3A_195 : vector<128x64xi1> to vector<128x64xi32>
    %iota3A_197 = tpu.iota {dimensions = array<i32: 1>} : vector<128x64xi32>
    %mul3A_198 = arith.muli %convert_element_type3A_196, %iota3A_197 : vector<128x64xi32>
    %reduce_sum3A_199 = arith.constant dense<0> : vector<128xi32>
    %reduce_sum3A_200 = vector.multi_reduction <add>, %mul3A_198, %reduce_sum3A_199 [1] : vector<128x64xi32> to vector<128xi32>
    %broadcast_in_dim3A_201 = vector.shape_cast %reduce_sum3A_200 : vector<128xi32> to vector<128x1xi32>
    %swap3A_202 = arith.constant 0 : index
    %swap3A_203 = arith.constant 0 : index
    %swap3A_204 = vector.load %arg7[%swap3A_202, %swap3A_203] : memref<128x1xi32, #tpu.memory_space<vmem>>, vector<128x1xi32>
    tpu.vector_store %arg7[%swap3A_202, %swap3A_203], %broadcast_in_dim3A_201 {strides = array<i32>} : memref<128x1xi32, #tpu.memory_space<vmem>>, vector<128x1xi32>,
    %reduce_sum3A_205 = arith.constant dense<0> : vector<1xi32>
    %reduce_sum3A_206 = vector.multi_reduction <add>, %convert_element_type3A_148, %reduce_sum3A_205 [1] : vector<1x64xi32> to vector<1xi32>
    %broadcast_in_dim3A_207 = vector.shape_cast %reduce_sum3A_206 : vector<1xi32> to vector<1x1xi32>
    %swap3A_208 = arith.constant 0 : index
    %swap3A_209 = arith.constant 0 : index
    %swap3A_210 = vector.load %arg8[%swap3A_208, %swap3A_209] : memref<1x1xi32, #tpu.memory_space<vmem>>, vector<1x1xi32>
    tpu.vector_store %arg8[%swap3A_208, %swap3A_209], %broadcast_in_dim3A_207 {strides = array<i32>} : memref<1x1xi32, #tpu.memory_space<vmem>>, vector<1x1xi32>,
    %broadcast_in_dim3A_211 = vector.shape_cast %broadcast_in_dim3A_13 : vector<2048x1xf32> to vector<2048x1xf32>
    %broadcast_in_dim3A_212 = vector.broadcast %broadcast_in_dim3A_211 : vector<2048x1xf32> to vector<2048x128xf32>
    %swap3A_213 = arith.constant 0 : index
    %swap3A_214 = arith.constant 0 : index
    %swap3A_215 = vector.load %arg2[%swap3A_213, %swap3A_214] : memref<2048x128xf32, #tpu.memory_space<vmem>>, vector<2048x128xf32>
    tpu.vector_store %arg2[%swap3A_213, %swap3A_214], %broadcast_in_dim3A_212 {strides = array<i32>} : memref<2048x128xf32, #tpu.memory_space<vmem>>, vector<2048x128xf32>,
    return
  }
}

module attributes {stable_mosaic.version = 14 : i64} {
  func.func @_gmm_body(%arg0: i32, %arg1: memref<80xi32, #tpu.memory_space<smem>>, %arg2: memref<80xi32, #tpu.memory_space<smem>>, %arg3: memref<80xi32, #tpu.memory_space<smem>>, %arg4: memref<64xi32, #tpu.memory_space<smem>>, %arg5: memref<1xi32, #tpu.memory_space<smem>>, %arg6: memref<128x1024xf32, #tpu.memory_space<vmem>>, %arg7: memref<128x128xf32, #tpu.memory_space<vmem>>, %arg8: memref<64x1024x1024xf32, #tpu.memory_space<any>>, %arg9: memref<128x1024xf32, #tpu.memory_space<vmem>>, %arg10: memref<4x1024x1024xf32, #tpu.memory_space<vmem>>, %arg11: memref<4x2x!tpu.dma_semaphore, #tpu.memory_space<semaphore_mem>>) attributes {dimension_semantics = [#tpu.dimension_semantics<arbitrary>], iteration_bounds = array<i64: 80>, scalar_prefetch = 5 : i64, scratch_operands = 2 : i64, tpu.core_type = #tpu.core_type<tc>, window_params = [{transform_indices = @transform_0, window_bounds = array<i64: 128, 1024>}, {transform_indices = @transform_1, window_bounds = array<i64: 128, 128>}, {}, {transform_indices = @transform_3, window_bounds = array<i64: 128, 1024>}]} {
    %get3A = arith.index_cast %arg0 : i32 to index
    %get3A_0 = memref.load %arg3[%get3A] : memref<80xi32, #tpu.memory_space<smem>>
    %rem3A = arith.constant 4 : i32
    %rem3A_1 = arith.remsi %get3A_0, %rem3A : i32
    %get3A_2 = arith.constant 0 : index
    %get3A_3 = memref.load %arg5[%get3A_2] : memref<1xi32, #tpu.memory_space<smem>>
    %eq3A = arith.constant 0 : i32
    %eq3A_4 = arith.cmpi eq, %arg0, %eq3A : i32
    %convert_element_type3A = arith.extui %eq3A_4 : i1 to i32
    %cond3A = arith.constant 0 : i32
    %cond3A_5 = arith.cmpi ne, %convert_element_type3A, %cond3A : i32
    scf.if %cond3A_5 {
      %gt3A_34 = arith.constant 0 : i32
      %gt3A_35 = arith.cmpi sgt, %get3A_3, %gt3A_34 : i32
      %convert_element_type3A_36 = arith.extui %gt3A_35 : i1 to i32
      %cond3A_37 = arith.constant 0 : i32
      %cond3A_38 = arith.cmpi ne, %convert_element_type3A_36, %cond3A_37 : i32
      scf.if %cond3A_38 {
        %get3A_54 = arith.constant 0 : index
        %get3A_55 = memref.load %arg4[%get3A_54] : memref<64xi32, #tpu.memory_space<smem>>
        %dma_start3A = arith.constant 0 : i32
        %dma_start3A_56 = arith.constant 0 : i32
        %dma_start3A_57 = tpu.memref_slice %arg11[%dma_start3A, %dma_start3A_56] : memref<4x2x!tpu.dma_semaphore, #tpu.memory_space<semaphore_mem>> -> memref<1x1x!tpu.dma_semaphore, #tpu.memory_space<semaphore_mem>>
        %dma_start3A_58 = tpu.memref_squeeze %dma_start3A_57 : memref<1x1x!tpu.dma_semaphore, #tpu.memory_space<semaphore_mem>> -> memref<!tpu.dma_semaphore, #tpu.memory_space<semaphore_mem>>
        %dma_start3A_59 = arith.constant 0 : i32
        %dma_start3A_60 = arith.constant 0 : i32
        %dma_start3A_61 = arith.constant 0 : i32
        %dma_start3A_62 = tpu.memref_slice %arg10[%dma_start3A_59, %dma_start3A_60, %dma_start3A_61] : memref<4x1024x1024xf32, #tpu.memory_space<vmem>> -> memref<1x512x1024xf32, #tpu.memory_space<vmem>>
        %dma_start3A_63 = arith.constant 0 : i32
        %dma_start3A_64 = arith.constant 0 : i32
        %dma_start3A_65 = tpu.memref_slice %arg8[%get3A_55, %dma_start3A_63, %dma_start3A_64] : memref<64x1024x1024xf32, #tpu.memory_space<any>> -> memref<1x512x1024xf32, #tpu.memory_space<any>>
        tpu.enqueue_dma source(%dma_start3A_65 : memref<1x512x1024xf32, #tpu.memory_space<any>>) target(%dma_start3A_62 : memref<1x512x1024xf32, #tpu.memory_space<vmem>>) target_semaphore(%dma_start3A_58 : memref<!tpu.dma_semaphore, #tpu.memory_space<semaphore_mem>>)
        %get3A_66 = arith.constant 0 : index
        %get3A_67 = memref.load %arg4[%get3A_66] : memref<64xi32, #tpu.memory_space<smem>>
        %dma_start3A_68 = arith.constant 0 : i32
        %dma_start3A_69 = arith.constant 1 : i32
        %dma_start3A_70 = tpu.memref_slice %arg11[%dma_start3A_68, %dma_start3A_69] : memref<4x2x!tpu.dma_semaphore, #tpu.memory_space<semaphore_mem>> -> memref<1x1x!tpu.dma_semaphore, #tpu.memory_space<semaphore_mem>>
        %dma_start3A_71 = tpu.memref_squeeze %dma_start3A_70 : memref<1x1x!tpu.dma_semaphore, #tpu.memory_space<semaphore_mem>> -> memref<!tpu.dma_semaphore, #tpu.memory_space<semaphore_mem>>
        %dma_start3A_72 = arith.constant 0 : i32
        %dma_start3A_73 = arith.constant 512 : i32
        %dma_start3A_74 = arith.constant 0 : i32
        %dma_start3A_75 = tpu.memref_slice %arg10[%dma_start3A_72, %dma_start3A_73, %dma_start3A_74] : memref<4x1024x1024xf32, #tpu.memory_space<vmem>> -> memref<1x512x1024xf32, #tpu.memory_space<vmem>>
        %dma_start3A_76 = arith.constant 512 : i32
        %dma_start3A_77 = arith.constant 0 : i32
        %dma_start3A_78 = tpu.memref_slice %arg8[%get3A_67, %dma_start3A_76, %dma_start3A_77] : memref<64x1024x1024xf32, #tpu.memory_space<any>> -> memref<1x512x1024xf32, #tpu.memory_space<any>>
        tpu.enqueue_dma source(%dma_start3A_78 : memref<1x512x1024xf32, #tpu.memory_space<any>>) target(%dma_start3A_75 : memref<1x512x1024xf32, #tpu.memory_space<vmem>>) target_semaphore(%dma_start3A_71 : memref<!tpu.dma_semaphore, #tpu.memory_space<semaphore_mem>>)
      } else {
      }
      %gt3A_39 = arith.constant 1 : i32
      %gt3A_40 = arith.cmpi sgt, %get3A_3, %gt3A_39 : i32
      %convert_element_type3A_41 = arith.extui %gt3A_40 : i1 to i32
      %cond3A_42 = arith.constant 0 : i32
      %cond3A_43 = arith.cmpi ne, %convert_element_type3A_41, %cond3A_42 : i32
      scf.if %cond3A_43 {
        %get3A_54 = arith.constant 1 : index
        %get3A_55 = memref.load %arg4[%get3A_54] : memref<64xi32, #tpu.memory_space<smem>>
        %dma_start3A = arith.constant 1 : i32
        %dma_start3A_56 = arith.constant 0 : i32
        %dma_start3A_57 = tpu.memref_slice %arg11[%dma_start3A, %dma_start3A_56] : memref<4x2x!tpu.dma_semaphore, #tpu.memory_space<semaphore_mem>> -> memref<1x1x!tpu.dma_semaphore, #tpu.memory_space<semaphore_mem>>
        %dma_start3A_58 = tpu.memref_squeeze %dma_start3A_57 : memref<1x1x!tpu.dma_semaphore, #tpu.memory_space<semaphore_mem>> -> memref<!tpu.dma_semaphore, #tpu.memory_space<semaphore_mem>>
        %dma_start3A_59 = arith.constant 1 : i32
        %dma_start3A_60 = arith.constant 0 : i32
        %dma_start3A_61 = arith.constant 0 : i32
        %dma_start3A_62 = tpu.memref_slice %arg10[%dma_start3A_59, %dma_start3A_60, %dma_start3A_61] : memref<4x1024x1024xf32, #tpu.memory_space<vmem>> -> memref<1x512x1024xf32, #tpu.memory_space<vmem>>
        %dma_start3A_63 = arith.constant 0 : i32
        %dma_start3A_64 = arith.constant 0 : i32
        %dma_start3A_65 = tpu.memref_slice %arg8[%get3A_55, %dma_start3A_63, %dma_start3A_64] : memref<64x1024x1024xf32, #tpu.memory_space<any>> -> memref<1x512x1024xf32, #tpu.memory_space<any>>
        tpu.enqueue_dma source(%dma_start3A_65 : memref<1x512x1024xf32, #tpu.memory_space<any>>) target(%dma_start3A_62 : memref<1x512x1024xf32, #tpu.memory_space<vmem>>) target_semaphore(%dma_start3A_58 : memref<!tpu.dma_semaphore, #tpu.memory_space<semaphore_mem>>)
        %get3A_66 = arith.constant 1 : index
        %get3A_67 = memref.load %arg4[%get3A_66] : memref<64xi32, #tpu.memory_space<smem>>
        %dma_start3A_68 = arith.constant 1 : i32
        %dma_start3A_69 = arith.constant 1 : i32
        %dma_start3A_70 = tpu.memref_slice %arg11[%dma_start3A_68, %dma_start3A_69] : memref<4x2x!tpu.dma_semaphore, #tpu.memory_space<semaphore_mem>> -> memref<1x1x!tpu.dma_semaphore, #tpu.memory_space<semaphore_mem>>
        %dma_start3A_71 = tpu.memref_squeeze %dma_start3A_70 : memref<1x1x!tpu.dma_semaphore, #tpu.memory_space<semaphore_mem>> -> memref<!tpu.dma_semaphore, #tpu.memory_space<semaphore_mem>>
        %dma_start3A_72 = arith.constant 1 : i32
        %dma_start3A_73 = arith.constant 512 : i32
        %dma_start3A_74 = arith.constant 0 : i32
        %dma_start3A_75 = tpu.memref_slice %arg10[%dma_start3A_72, %dma_start3A_73, %dma_start3A_74] : memref<4x1024x1024xf32, #tpu.memory_space<vmem>> -> memref<1x512x1024xf32, #tpu.memory_space<vmem>>
        %dma_start3A_76 = arith.constant 512 : i32
        %dma_start3A_77 = arith.constant 0 : i32
        %dma_start3A_78 = tpu.memref_slice %arg8[%get3A_67, %dma_start3A_76, %dma_start3A_77] : memref<64x1024x1024xf32, #tpu.memory_space<any>> -> memref<1x512x1024xf32, #tpu.memory_space<any>>
        tpu.enqueue_dma source(%dma_start3A_78 : memref<1x512x1024xf32, #tpu.memory_space<any>>) target(%dma_start3A_75 : memref<1x512x1024xf32, #tpu.memory_space<vmem>>) target_semaphore(%dma_start3A_71 : memref<!tpu.dma_semaphore, #tpu.memory_space<semaphore_mem>>)
      } else {
      }
      %gt3A_44 = arith.constant 2 : i32
      %gt3A_45 = arith.cmpi sgt, %get3A_3, %gt3A_44 : i32
      %convert_element_type3A_46 = arith.extui %gt3A_45 : i1 to i32
      %cond3A_47 = arith.constant 0 : i32
      %cond3A_48 = arith.cmpi ne, %convert_element_type3A_46, %cond3A_47 : i32
      scf.if %cond3A_48 {
        %get3A_54 = arith.constant 2 : index
        %get3A_55 = memref.load %arg4[%get3A_54] : memref<64xi32, #tpu.memory_space<smem>>
        %dma_start3A = arith.constant 2 : i32
        %dma_start3A_56 = arith.constant 0 : i32
        %dma_start3A_57 = tpu.memref_slice %arg11[%dma_start3A, %dma_start3A_56] : memref<4x2x!tpu.dma_semaphore, #tpu.memory_space<semaphore_mem>> -> memref<1x1x!tpu.dma_semaphore, #tpu.memory_space<semaphore_mem>>
        %dma_start3A_58 = tpu.memref_squeeze %dma_start3A_57 : memref<1x1x!tpu.dma_semaphore, #tpu.memory_space<semaphore_mem>> -> memref<!tpu.dma_semaphore, #tpu.memory_space<semaphore_mem>>
        %dma_start3A_59 = arith.constant 2 : i32
        %dma_start3A_60 = arith.constant 0 : i32
        %dma_start3A_61 = arith.constant 0 : i32
        %dma_start3A_62 = tpu.memref_slice %arg10[%dma_start3A_59, %dma_start3A_60, %dma_start3A_61] : memref<4x1024x1024xf32, #tpu.memory_space<vmem>> -> memref<1x512x1024xf32, #tpu.memory_space<vmem>>
        %dma_start3A_63 = arith.constant 0 : i32
        %dma_start3A_64 = arith.constant 0 : i32
        %dma_start3A_65 = tpu.memref_slice %arg8[%get3A_55, %dma_start3A_63, %dma_start3A_64] : memref<64x1024x1024xf32, #tpu.memory_space<any>> -> memref<1x512x1024xf32, #tpu.memory_space<any>>
        tpu.enqueue_dma source(%dma_start3A_65 : memref<1x512x1024xf32, #tpu.memory_space<any>>) target(%dma_start3A_62 : memref<1x512x1024xf32, #tpu.memory_space<vmem>>) target_semaphore(%dma_start3A_58 : memref<!tpu.dma_semaphore, #tpu.memory_space<semaphore_mem>>)
        %get3A_66 = arith.constant 2 : index
        %get3A_67 = memref.load %arg4[%get3A_66] : memref<64xi32, #tpu.memory_space<smem>>
        %dma_start3A_68 = arith.constant 2 : i32
        %dma_start3A_69 = arith.constant 1 : i32
        %dma_start3A_70 = tpu.memref_slice %arg11[%dma_start3A_68, %dma_start3A_69] : memref<4x2x!tpu.dma_semaphore, #tpu.memory_space<semaphore_mem>> -> memref<1x1x!tpu.dma_semaphore, #tpu.memory_space<semaphore_mem>>
        %dma_start3A_71 = tpu.memref_squeeze %dma_start3A_70 : memref<1x1x!tpu.dma_semaphore, #tpu.memory_space<semaphore_mem>> -> memref<!tpu.dma_semaphore, #tpu.memory_space<semaphore_mem>>
        %dma_start3A_72 = arith.constant 2 : i32
        %dma_start3A_73 = arith.constant 512 : i32
        %dma_start3A_74 = arith.constant 0 : i32
        %dma_start3A_75 = tpu.memref_slice %arg10[%dma_start3A_72, %dma_start3A_73, %dma_start3A_74] : memref<4x1024x1024xf32, #tpu.memory_space<vmem>> -> memref<1x512x1024xf32, #tpu.memory_space<vmem>>
        %dma_start3A_76 = arith.constant 512 : i32
        %dma_start3A_77 = arith.constant 0 : i32
        %dma_start3A_78 = tpu.memref_slice %arg8[%get3A_67, %dma_start3A_76, %dma_start3A_77] : memref<64x1024x1024xf32, #tpu.memory_space<any>> -> memref<1x512x1024xf32, #tpu.memory_space<any>>
        tpu.enqueue_dma source(%dma_start3A_78 : memref<1x512x1024xf32, #tpu.memory_space<any>>) target(%dma_start3A_75 : memref<1x512x1024xf32, #tpu.memory_space<vmem>>) target_semaphore(%dma_start3A_71 : memref<!tpu.dma_semaphore, #tpu.memory_space<semaphore_mem>>)
      } else {
      }
      %gt3A_49 = arith.constant 3 : i32
      %gt3A_50 = arith.cmpi sgt, %get3A_3, %gt3A_49 : i32
      %convert_element_type3A_51 = arith.extui %gt3A_50 : i1 to i32
      %cond3A_52 = arith.constant 0 : i32
      %cond3A_53 = arith.cmpi ne, %convert_element_type3A_51, %cond3A_52 : i32
      scf.if %cond3A_53 {
        %get3A_54 = arith.constant 3 : index
        %get3A_55 = memref.load %arg4[%get3A_54] : memref<64xi32, #tpu.memory_space<smem>>
        %dma_start3A = arith.constant 3 : i32
        %dma_start3A_56 = arith.constant 0 : i32
        %dma_start3A_57 = tpu.memref_slice %arg11[%dma_start3A, %dma_start3A_56] : memref<4x2x!tpu.dma_semaphore, #tpu.memory_space<semaphore_mem>> -> memref<1x1x!tpu.dma_semaphore, #tpu.memory_space<semaphore_mem>>
        %dma_start3A_58 = tpu.memref_squeeze %dma_start3A_57 : memref<1x1x!tpu.dma_semaphore, #tpu.memory_space<semaphore_mem>> -> memref<!tpu.dma_semaphore, #tpu.memory_space<semaphore_mem>>
        %dma_start3A_59 = arith.constant 3 : i32
        %dma_start3A_60 = arith.constant 0 : i32
        %dma_start3A_61 = arith.constant 0 : i32
        %dma_start3A_62 = tpu.memref_slice %arg10[%dma_start3A_59, %dma_start3A_60, %dma_start3A_61] : memref<4x1024x1024xf32, #tpu.memory_space<vmem>> -> memref<1x512x1024xf32, #tpu.memory_space<vmem>>
        %dma_start3A_63 = arith.constant 0 : i32
        %dma_start3A_64 = arith.constant 0 : i32
        %dma_start3A_65 = tpu.memref_slice %arg8[%get3A_55, %dma_start3A_63, %dma_start3A_64] : memref<64x1024x1024xf32, #tpu.memory_space<any>> -> memref<1x512x1024xf32, #tpu.memory_space<any>>
        tpu.enqueue_dma source(%dma_start3A_65 : memref<1x512x1024xf32, #tpu.memory_space<any>>) target(%dma_start3A_62 : memref<1x512x1024xf32, #tpu.memory_space<vmem>>) target_semaphore(%dma_start3A_58 : memref<!tpu.dma_semaphore, #tpu.memory_space<semaphore_mem>>)
        %get3A_66 = arith.constant 3 : index
        %get3A_67 = memref.load %arg4[%get3A_66] : memref<64xi32, #tpu.memory_space<smem>>
        %dma_start3A_68 = arith.constant 3 : i32
        %dma_start3A_69 = arith.constant 1 : i32
        %dma_start3A_70 = tpu.memref_slice %arg11[%dma_start3A_68, %dma_start3A_69] : memref<4x2x!tpu.dma_semaphore, #tpu.memory_space<semaphore_mem>> -> memref<1x1x!tpu.dma_semaphore, #tpu.memory_space<semaphore_mem>>
        %dma_start3A_71 = tpu.memref_squeeze %dma_start3A_70 : memref<1x1x!tpu.dma_semaphore, #tpu.memory_space<semaphore_mem>> -> memref<!tpu.dma_semaphore, #tpu.memory_space<semaphore_mem>>
        %dma_start3A_72 = arith.constant 3 : i32
        %dma_start3A_73 = arith.constant 512 : i32
        %dma_start3A_74 = arith.constant 0 : i32
        %dma_start3A_75 = tpu.memref_slice %arg10[%dma_start3A_72, %dma_start3A_73, %dma_start3A_74] : memref<4x1024x1024xf32, #tpu.memory_space<vmem>> -> memref<1x512x1024xf32, #tpu.memory_space<vmem>>
        %dma_start3A_76 = arith.constant 512 : i32
        %dma_start3A_77 = arith.constant 0 : i32
        %dma_start3A_78 = tpu.memref_slice %arg8[%get3A_67, %dma_start3A_76, %dma_start3A_77] : memref<64x1024x1024xf32, #tpu.memory_space<any>> -> memref<1x512x1024xf32, #tpu.memory_space<any>>
        tpu.enqueue_dma source(%dma_start3A_78 : memref<1x512x1024xf32, #tpu.memory_space<any>>) target(%dma_start3A_75 : memref<1x512x1024xf32, #tpu.memory_space<vmem>>) target_semaphore(%dma_start3A_71 : memref<!tpu.dma_semaphore, #tpu.memory_space<semaphore_mem>>)
      } else {
      }
    } else {
    }
    %get3A_6 = arith.index_cast %arg0 : i32 to index
    %get3A_7 = memref.load %arg2[%get3A_6] : memref<80xi32, #tpu.memory_space<smem>>
    %eq3A_8 = arith.constant 1 : i32
    %eq3A_9 = arith.cmpi eq, %get3A_7, %eq3A_8 : i32
    %gt3A = arith.constant 0 : i32
    %gt3A_10 = arith.cmpi sgt, %arg0, %gt3A : i32
    %add3A = arith.constant 4 : i32
    %add3A_11 = arith.addi %get3A_0, %add3A : i32
    %sub3A = arith.constant 1 : i32
    %sub3A_12 = arith.subi %add3A_11, %sub3A : i32
    %lt3A = arith.cmpi slt, %sub3A_12, %get3A_3 : i32
    %and3A = arith.andi %gt3A_10, %lt3A : i1
    %and3A_13 = arith.andi %eq3A_9, %and3A : i1
    %convert_element_type3A_14 = arith.extui %and3A_13 : i1 to i32
    %cond3A_15 = arith.constant 0 : i32
    %cond3A_16 = arith.cmpi ne, %convert_element_type3A_14, %cond3A_15 : i32
    scf.if %cond3A_16 {
      %add3A_34 = arith.constant 4 : i32
      %add3A_35 = arith.addi %get3A_0, %add3A_34 : i32
      %sub3A_36 = arith.constant 1 : i32
      %sub3A_37 = arith.subi %add3A_35, %sub3A_36 : i32
      %rem3A_38 = arith.constant 4 : i32
      %rem3A_39 = arith.remsi %sub3A_37, %rem3A_38 : i32
      %get3A_40 = arith.index_cast %sub3A_37 : i32 to index
      %get3A_41 = memref.load %arg4[%get3A_40] : memref<64xi32, #tpu.memory_space<smem>>
      %dma_start3A = arith.constant 0 : i32
      %dma_start3A_42 = tpu.memref_slice %arg11[%rem3A_39, %dma_start3A] : memref<4x2x!tpu.dma_semaphore, #tpu.memory_space<semaphore_mem>> -> memref<1x1x!tpu.dma_semaphore, #tpu.memory_space<semaphore_mem>>
      %dma_start3A_43 = tpu.memref_squeeze %dma_start3A_42 : memref<1x1x!tpu.dma_semaphore, #tpu.memory_space<semaphore_mem>> -> memref<!tpu.dma_semaphore, #tpu.memory_space<semaphore_mem>>
      %dma_start3A_44 = arith.constant 0 : i32
      %dma_start3A_45 = arith.constant 0 : i32
      %dma_start3A_46 = tpu.memref_slice %arg10[%rem3A_39, %dma_start3A_44, %dma_start3A_45] : memref<4x1024x1024xf32, #tpu.memory_space<vmem>> -> memref<1x512x1024xf32, #tpu.memory_space<vmem>>
      %dma_start3A_47 = arith.constant 0 : i32
      %dma_start3A_48 = arith.constant 0 : i32
      %dma_start3A_49 = tpu.memref_slice %arg8[%get3A_41, %dma_start3A_47, %dma_start3A_48] : memref<64x1024x1024xf32, #tpu.memory_space<any>> -> memref<1x512x1024xf32, #tpu.memory_space<any>>
      tpu.enqueue_dma source(%dma_start3A_49 : memref<1x512x1024xf32, #tpu.memory_space<any>>) target(%dma_start3A_46 : memref<1x512x1024xf32, #tpu.memory_space<vmem>>) target_semaphore(%dma_start3A_43 : memref<!tpu.dma_semaphore, #tpu.memory_space<semaphore_mem>>)
      %get3A_50 = arith.index_cast %sub3A_37 : i32 to index
      %get3A_51 = memref.load %arg4[%get3A_50] : memref<64xi32, #tpu.memory_space<smem>>
      %dma_start3A_52 = arith.constant 1 : i32
      %dma_start3A_53 = tpu.memref_slice %arg11[%rem3A_39, %dma_start3A_52] : memref<4x2x!tpu.dma_semaphore, #tpu.memory_space<semaphore_mem>> -> memref<1x1x!tpu.dma_semaphore, #tpu.memory_space<semaphore_mem>>
      %dma_start3A_54 = tpu.memref_squeeze %dma_start3A_53 : memref<1x1x!tpu.dma_semaphore, #tpu.memory_space<semaphore_mem>> -> memref<!tpu.dma_semaphore, #tpu.memory_space<semaphore_mem>>
      %dma_start3A_55 = arith.constant 512 : i32
      %dma_start3A_56 = arith.constant 0 : i32
      %dma_start3A_57 = tpu.memref_slice %arg10[%rem3A_39, %dma_start3A_55, %dma_start3A_56] : memref<4x1024x1024xf32, #tpu.memory_space<vmem>> -> memref<1x512x1024xf32, #tpu.memory_space<vmem>>
      %dma_start3A_58 = arith.constant 512 : i32
      %dma_start3A_59 = arith.constant 0 : i32
      %dma_start3A_60 = tpu.memref_slice %arg8[%get3A_51, %dma_start3A_58, %dma_start3A_59] : memref<64x1024x1024xf32, #tpu.memory_space<any>> -> memref<1x512x1024xf32, #tpu.memory_space<any>>
      tpu.enqueue_dma source(%dma_start3A_60 : memref<1x512x1024xf32, #tpu.memory_space<any>>) target(%dma_start3A_57 : memref<1x512x1024xf32, #tpu.memory_space<vmem>>) target_semaphore(%dma_start3A_54 : memref<!tpu.dma_semaphore, #tpu.memory_space<semaphore_mem>>)
    } else {
    }
    %convert_element_type3A_17 = arith.extui %eq3A_9 : i1 to i32
    %cond3A_18 = arith.constant 0 : i32
    %cond3A_19 = arith.cmpi ne, %convert_element_type3A_17, %cond3A_18 : i32
    scf.if %cond3A_19 {
      %get3A_34 = arith.index_cast %get3A_0 : i32 to index
      %get3A_35 = memref.load %arg4[%get3A_34] : memref<64xi32, #tpu.memory_space<smem>>
      %dma_wait3A = arith.constant 0 : i32
      %dma_wait3A_36 = tpu.memref_slice %arg11[%rem3A_1, %dma_wait3A] : memref<4x2x!tpu.dma_semaphore, #tpu.memory_space<semaphore_mem>> -> memref<1x1x!tpu.dma_semaphore, #tpu.memory_space<semaphore_mem>>
      %dma_wait3A_37 = tpu.memref_squeeze %dma_wait3A_36 : memref<1x1x!tpu.dma_semaphore, #tpu.memory_space<semaphore_mem>> -> memref<!tpu.dma_semaphore, #tpu.memory_space<semaphore_mem>>
      %dma_wait3A_38 = arith.constant 0 : i32
      %dma_wait3A_39 = arith.constant 0 : i32
      %dma_wait3A_40 = tpu.memref_slice %arg10[%rem3A_1, %dma_wait3A_38, %dma_wait3A_39] : memref<4x1024x1024xf32, #tpu.memory_space<vmem>> -> memref<1x512x1024xf32, #tpu.memory_space<vmem>>
      %dma_wait3A_41 = arith.constant 0 : i32
      %dma_wait3A_42 = arith.constant 0 : i32
      %dma_wait3A_43 = tpu.memref_slice %arg8[%get3A_35, %dma_wait3A_41, %dma_wait3A_42] : memref<64x1024x1024xf32, #tpu.memory_space<any>> -> memref<1x512x1024xf32, #tpu.memory_space<any>>
      tpu.wait_dma2 semaphore(%dma_wait3A_37 : memref<!tpu.dma_semaphore, #tpu.memory_space<semaphore_mem>>) src(%dma_wait3A_43 : memref<1x512x1024xf32, #tpu.memory_space<any>>) dst(%dma_wait3A_40 : memref<1x512x1024xf32, #tpu.memory_space<vmem>>)
      %get3A_44 = arith.index_cast %get3A_0 : i32 to index
      %get3A_45 = memref.load %arg4[%get3A_44] : memref<64xi32, #tpu.memory_space<smem>>
      %dma_wait3A_46 = arith.constant 1 : i32
      %dma_wait3A_47 = tpu.memref_slice %arg11[%rem3A_1, %dma_wait3A_46] : memref<4x2x!tpu.dma_semaphore, #tpu.memory_space<semaphore_mem>> -> memref<1x1x!tpu.dma_semaphore, #tpu.memory_space<semaphore_mem>>
      %dma_wait3A_48 = tpu.memref_squeeze %dma_wait3A_47 : memref<1x1x!tpu.dma_semaphore, #tpu.memory_space<semaphore_mem>> -> memref<!tpu.dma_semaphore, #tpu.memory_space<semaphore_mem>>
      %dma_wait3A_49 = arith.constant 512 : i32
      %dma_wait3A_50 = arith.constant 0 : i32
      %dma_wait3A_51 = tpu.memref_slice %arg10[%rem3A_1, %dma_wait3A_49, %dma_wait3A_50] : memref<4x1024x1024xf32, #tpu.memory_space<vmem>> -> memref<1x512x1024xf32, #tpu.memory_space<vmem>>
      %dma_wait3A_52 = arith.constant 512 : i32
      %dma_wait3A_53 = arith.constant 0 : i32
      %dma_wait3A_54 = tpu.memref_slice %arg8[%get3A_45, %dma_wait3A_52, %dma_wait3A_53] : memref<64x1024x1024xf32, #tpu.memory_space<any>> -> memref<1x512x1024xf32, #tpu.memory_space<any>>
      tpu.wait_dma2 semaphore(%dma_wait3A_48 : memref<!tpu.dma_semaphore, #tpu.memory_space<semaphore_mem>>) src(%dma_wait3A_54 : memref<1x512x1024xf32, #tpu.memory_space<any>>) dst(%dma_wait3A_51 : memref<1x512x1024xf32, #tpu.memory_space<vmem>>)
    } else {
    }
    %get3A_20 = arith.index_cast %rem3A_1 : i32 to index
    %get3A_21 = arith.constant 0 : index
    %get3A_22 = arith.constant 0 : index
    %get3A_23 = vector.load %arg10[%get3A_20, %get3A_21, %get3A_22] : memref<4x1024x1024xf32, #tpu.memory_space<vmem>>, vector<1x1024x1024xf32>
    %get3A_24 = arith.constant 0 : index
    %get3A_25 = arith.constant 0 : index
    %get3A_26 = vector.load %arg7[%get3A_24, %get3A_25] : memref<128x128xf32, #tpu.memory_space<vmem>>, vector<128x1xf32>
    %get3A_27 = arith.constant 0 : index
    %get3A_28 = arith.constant 0 : index
    %get3A_29 = vector.load %arg6[%get3A_27, %get3A_28] : memref<128x1024xf32, #tpu.memory_space<vmem>>, vector<128x1024xf32>
    %squeeze3A = vector.shape_cast %get3A_23 : vector<1x1024x1024xf32> to vector<1024x1024xf32>
    %dot_general3A = arith.constant dense<0.000000e+00> : vector<128x1024xf32>
    %dot_general3A_30 = tpu.matmul %get3A_29, %squeeze3A, %dot_general3A {dimension_numbers = #tpu.dot_dimension_numbers<[1], [0], [0], [1], [0, 0, 1, 1], [], []>, transpose_lhs_hint = false} : vector<128x1024xf32>, vector<1024x1024xf32>, vector<128x1024xf32> -> vector<128x1024xf32>
    %mul3A = vector.broadcast %get3A_26 : vector<128x1xf32> to vector<128x1024xf32>
    %mul3A_31 = arith.mulf %mul3A, %dot_general3A_30 : vector<128x1024xf32>
    %swap3A = arith.constant 0 : index
    %swap3A_32 = arith.constant 0 : index
    %swap3A_33 = vector.load %arg9[%swap3A, %swap3A_32] : memref<128x1024xf32, #tpu.memory_space<vmem>>, vector<128x1024xf32>
    tpu.vector_store %arg9[%swap3A, %swap3A_32], %mul3A_31 {strides = array<i32>} : memref<128x1024xf32, #tpu.memory_space<vmem>>, vector<128x1024xf32>,
    return
  }
  func.func @transform_0(%arg0: i32, %arg1: memref<80xi32, #tpu.memory_space<smem>>, %arg2: memref<80xi32, #tpu.memory_space<smem>>, %arg3: memref<80xi32, #tpu.memory_space<smem>>, %arg4: memref<64xi32, #tpu.memory_space<smem>>, %arg5: memref<1xi32, #tpu.memory_space<smem>>) -> (i32, i32) {
    %c0_i32 = arith.constant 0 : i32
    %c0_i32_0 = arith.constant 0 : i32
    return %arg0, %c0_i32 : i32, i32
  }
  func.func @transform_1(%arg0: i32, %arg1: memref<80xi32, #tpu.memory_space<smem>>, %arg2: memref<80xi32, #tpu.memory_space<smem>>, %arg3: memref<80xi32, #tpu.memory_space<smem>>, %arg4: memref<64xi32, #tpu.memory_space<smem>>, %arg5: memref<1xi32, #tpu.memory_space<smem>>) -> (i32, i32) {
    %c0_i32 = arith.constant 0 : i32
    %c0_i32_0 = arith.constant 0 : i32
    return %arg0, %c0_i32 : i32, i32
  }
  func.func @transform_3(%arg0: i32, %arg1: memref<80xi32, #tpu.memory_space<smem>>, %arg2: memref<80xi32, #tpu.memory_space<smem>>, %arg3: memref<80xi32, #tpu.memory_space<smem>>, %arg4: memref<64xi32, #tpu.memory_space<smem>>, %arg5: memref<1xi32, #tpu.memory_space<smem>>) -> (i32, i32) {
    %c0_i32 = arith.constant 0 : i32
    %c0_i32_0 = arith.constant 0 : i32
    return %arg0, %c0_i32 : i32, i32
  }
}

</mosaic_0001>

<sc_bundles>
// kernel: kernel.6.cloned.1.call-start
scs
__scs_entry_jumppad:
0x0: {  	(pc) =	sbr.rel $0x88, $3  }
0x1: {  	(tag) =	ssettag $0x0;
	lr =	simm.s32 $0x1  }
0x2: {  	[smem:$0x3F9E] =	sst lr;
	_ =	strace $0xD0000000  }
0x3: {  	_ = 	snop  }
0x4: {  	_ = 	snop  }
0x5: {  	_ = 	snop  }
0x6: {  	_ = 	snop  }
0x7: {  	_ = 	snop  }
__scs_overlays_trampoline_lowered:
0x8: {  	[smem:$0x3FAD] =	sst s0  }
0x9: {  	[smem:$0x3FAE] =	sst s1  }
0xa: {  	[smem:$0x3FAF] =	sst s2  }
0xb: {  	[smem:$0x3FB0] =	sst s3  }
0xc: {  	[smem:$0x3FB1] =	sst s4  }
0xd: {  	[smem:$0x3FB2] =	sst s5  }
0xe: {  	[smem:$0x3FB3] =	sst s6  }
0xf: {  	[smem:$0x3FB4] =	sst s7  }
0x10: {  	[smem:$0x3FB5] =	sst s8  }
0x11: {  	[smem:$0x3FB6] =	sst s9;
	s0 =	simm.s32 @!p0 $0x0  }
0x12: {  	s1 =	sld [smem:$0x3F9C];
	s0 =	simm.s32 @p0 $0x1  }
0x13: {  	[smem:$0x3FB7] =	sst s0;
	s0 =	simm.s32 @!p1 $0x0  }
0x14: {  	s2 =	sld [smem:$0x3F9B];
	s0 =	simm.s32 @p1 $0x1  }
0x15: {  	[smem:$0x3FB8] =	sst s0;
	s0 =	simm.s32 @!p2 $0x0  }
0x16: {  	s3 =	sld [smem:$0x3FDB];
	s0 =	simm.s32 @p2 $0x1  }
0x17: {  	s4 =	simm.s32 $0x1BF5;
	[smem:$0x3FBA] =	sst s0  }
0x18: {  	s0 =	sld [smem:$0x3F9D];
	_ =	swait.ge [sflag:s4], $0x0  }
0x19: {  	s7 =	sld [smem:$0x3F9E]  }
0x1a: {  	s8 =	sadd.s32 $0xFFFFE003, lr  }
0x1b: {  	s9 =	sadd.s32 $0xFFFFFEF7, lr;
	s5 =	simm.s32 $0xFFFFFFFF;
	p2 =	slt.u32 s8, $0xFFFFF086  }
0x1c: {  	p1 =	slt.u32 s9, $0xF7A;
	s5 =	simm.s32 @!p2 $0x0  }
0x1d: {  	s5 =	simm.s32 @p1 $0x1;
	p0 =	seq.s32 s7, s2  }
0x1e: {  	s7 =	smul.u32 @!p0 $0xF7A, s2;
	p2 =	seq.s32 @!p0 s5, $0x0  }
0x1f: {  	s9 =	smul.u32 $0xF7A, s1;
	s8 =	simm.s32 @!p0 $0x1BF5;
	p2 =	por !p2, p0  }
0x20: {  	[sflag:s8] =	ssyncset.s32 @!p0 $0xFFFFF086;
	s6 =	sadd.s32 @!p0 s3, s7;
	s7 =	simm.s32 @!p0 $0x108  }
0x21: {  	s3 =	sadd.s32 s3, s9;
	s6 =	sadd.s32 @!p0 $0x88, s6;
	s7 =	simm.s32 @p2 $0x1082  }
0x22: {  	[simem:s7], [sflag:s8] =	dma.local @!p0 [hbm:s6], $0xF7A  }
0x23: {  	s9 =	sor.u32 $0xD0000000, s2;
	s6 =	simm.s32 $0x108;
	_ =	swait.ge @!p0 [sflag:s8], $0x0  }
0x24: {  	s3 =	sadd.s32 $0x88, s3;
	s6 =	simm.s32 @!p1 $0x1082;
	[sflag:s4] =	ssyncset.s32 $0xFFFFF086  }
0x25: {  	[simem:s6], [sflag:s4] =	dma.local [hbm:s3], $0xF7A  }
0x26: {  	[smem:$0x3F9E] =	sst s1;
	(tag) =	ssettag s2;
	_ =	strace s9  }
0x27: {  	s1 =	sld [smem:$0x3FAE]  }
0x28: {  	s2 =	sld [smem:$0x3FAF]  }
0x29: {  	s4 =	sld [smem:$0x3FB1]  }
0x2a: {  	p0 =	seq.s32 s5, $0x0;
	s5 =	sld [smem:$0x3FB2]  }
0x2b: {  	s6 =	sld [smem:$0x3FB3]  }
0x2c: {  	s7 =	sld [smem:$0x3FB4]  }
0x2d: {  	s3 =	simm.s32 $0x108;
	s8 =	sld [smem:$0x3FB5]  }
0x2e: {  	s3 =	simm.s32 @!p0 $0x1082;
	s9 =	sld [smem:$0x3FB6]  }
0x2f: {  	lr =	sadd.s32 s0, s3;
	s0 =	sld [smem:$0x3FAD]  }
0x30: {  	s3 =	sld [smem:$0x3FB0]  }
0x31: {  	[smem:$0x3FB9] =	sst s10  }
0x32: {  	s10 =	sld [smem:$0x3FB7];
	_ =	sdelay $0x3  }
0x33: {  	p0 =	seq.s32 s10, $0x1;
	s10 =	sld [smem:$0x3FB9];
	_ =	sdelay $0x3  }
0x34: {  	[smem:$0x3FB9] =	sst s10  }
0x35: {  	s10 =	sld [smem:$0x3FB8];
	_ =	sdelay $0x3  }
0x36: {  	p1 =	seq.s32 s10, $0x1;
	s10 =	sld [smem:$0x3FB9];
	_ =	sdelay $0x3  }
0x37: {  	[smem:$0x3FB9] =	sst s10  }
0x38: {  	s10 =	sld [smem:$0x3FBA]  }
0x39: {  	_ = 	snop;
	(pc) =	sbr.ind lr, $3  }
0x3a: {  	_ = 	snop  }
0x3b: {  	_ = 	snop  }
0x3c: {  	p2 =	seq.s32 s10, $0x1;
	s10 =	sld [smem:$0x3FB9]  }
0x3d: {  	_ =	shalt  }
0x3e: {  	_ =	shalt  }
0x3f: {  	_ =	shalt  }
0x40: {  	_ =	shalt  }
0x41: {  	_ =	shalt  }
0x42: {  	_ =	shalt  }
0x43: {  	_ =	shalt  }
0x44: {  	_ =	shalt  }
0x45: {  	_ =	shalt  }
0x46: {  	_ =	shalt  }
0x47: {  	_ =	shalt  }
0x48: {  	_ =	shalt  }
0x49: {  	_ =	shalt  }
0x4a: {  	_ =	shalt  }
0x4b: {  	_ =	shalt  }
0x4c: {  	_ =	shalt  }
0x4d: {  	_ =	shalt  }
0x4e: {  	_ =	shalt  }
0x4f: {  	_ =	shalt  }
0x50: {  	_ =	shalt  }
0x51: {  	_ =	shalt  }
0x52: {  	_ =	shalt  }
0x53: {  	_ =	shalt  }
0x54: {  	_ =	shalt  }
0x55: {  	_ =	shalt  }
0x56: {  	_ =	shalt  }
0x57: {  	_ =	shalt  }
0x58: {  	_ =	shalt  }
0x59: {  	_ =	shalt  }
0x5a: {  	_ =	shalt  }
0x5b: {  	_ =	shalt  }
0x5c: {  	_ =	shalt  }
0x5d: {  	_ =	shalt  }
0x5e: {  	_ =	shalt  }
0x5f: {  	_ =	shalt  }
0x60: {  	_ =	shalt  }
0x61: {  	_ =	shalt  }
0x62: {  	_ =	shalt  }
0x63: {  	_ =	shalt  }
0x64: {  	_ =	shalt  }
0x65: {  	_ =	shalt  }
0x66: {  	_ =	shalt  }
0x67: {  	_ =	shalt  }
0x68: {  	_ =	shalt  }
0x69: {  	_ =	shalt  }
0x6a: {  	_ =	shalt  }
0x6b: {  	_ =	shalt  }
0x6c: {  	_ =	shalt  }
0x6d: {  	_ =	shalt  }
0x6e: {  	_ =	shalt  }
0x6f: {  	_ =	shalt  }
0x70: {  	_ =	shalt  }
0x71: {  	_ =	shalt  }
0x72: {  	_ =	shalt  }
0x73: {  	_ =	shalt  }
0x74: {  	_ =	shalt  }
0x75: {  	_ =	shalt  }
0x76: {  	_ =	shalt  }
0x77: {  	_ =	shalt  }
0x78: {  	_ =	shalt  }
0x79: {  	_ =	shalt  }
0x7a: {  	_ =	shalt  }
0x7b: {  	_ =	shalt  }
0x7c: {  	_ =	shalt  }
0x7d: {  	_ =	shalt  }
0x7e: {  	_ =	shalt  }
0x7f: {  	_ =	shalt  }
0x80: {  	_ =	shalt  }
0x81: {  	_ =	shalt  }
0x82: {  	_ =	shalt  }
0x83: {  	_ =	shalt  }
0x84: {  	_ =	shalt  }
0x85: {  	_ =	shalt  }
0x86: {  	_ =	shalt  }
0x87: {  	_ =	shalt  }
.Lfunc_end0:
.L_simem_size_0:
called_computation_lowered:
.L_overlay_start_0:
0x88: {  	s2 =	sld [smem:$0x3FD9]  }
0x89: {  	s3 =	sld [smem:$0x3FFE];
	_ =	sdelay $0x1  }
0x8a: {  	s1 =	srdreg.scid  }
0x8b: {  	s0 =	sand.u32 $0x1, s1  }
0x8c: {  	s17 =	sshll.u32 s0, $0xA;
	s2 =	sadd.s32 s3, s2  }
0x8d: {  	s2 =	sadd.s32 s2, s17  }
0x8e: {  	[smem:$0x3FC5] =	sst s2  }
0x8f: {  	_ = 	snop  }
0x90: {  	s2 =	sld [smem:$0x3FC9]  }
0x91: {  	s18 =	sld [smem:$0x3FD0];
	(tm) =	ssettm $0x1  }
0x92: {  	s4 =	sld [smem:$0x3FFB];
	_ =	sdelay $0x3  }
0x93: {  	_ =	strace s4  }
0x94: {  	s4 =	sld [smem:$0x3FFC];
	_ =	sdelay $0x3  }
0x95: {  	_ =	strace s4  }
0x96: {  	s4 =	sld [smem:$0x3FFD];
	_ =	sdelay $0x3  }
0x97: {  	_ =	strace s4  }
0x98: {  	_ =	strace $0x8FFFFFFF  }
0x99: {  	s19 =	sld [smem:$0x3FDB];
	_ =	sdelay $0x1  }
0x9a: {  	s5 =	simm.s32 $_scs_section_size  }
0x9b: {  	s6 =	simm.s32 $_size__tile_overlayer_lowered;
	s7 =	simm.s32 $_tile_overlayer_lowered  }
0x9c: {  	s22 =	simm.s32 $0x1BFF;
	s21 =	sshll.u32 s7, $0x1;
	s4 =	sadd.s32 s5, s19  }
0x9d: {  	s8 =	simm.s32 $0x0;
	s20 =	sshll.u32 s6, $0x1;
	s6 =	sadd.s32 s21, s4  }
0x9e: {  	[timem:s8], [sflag:s22] =	dma.local [hbm:s6], s20  }
0x9f: {  	_ =	swait.ge [sflag:s22], s20  }
0xa0: {  	s5 =	ssub.s32 $0x0, s20;
	[sflag:s22] =	ssyncset.done $0x0  }
0xa1: {  	[sflag:s22] =	ssyncadd.s32 s5;
	_ =	sdelay $0x1  }
0xa2: {  	s23 =	simm.s32 $0x1B8B  }
0xa3: {  	_ =	swait.ge [sflag:s23], $0x1  }
0xa4: {  	[sflag:s23] =	ssyncset.done $0x0  }
0xa5: {  	s25 =	simm.s32 $0x1B8E;
	s24 =	sld [smem:$0x3FFE];
	[sflag:s23] =	ssyncadd.s32 $0xFFFFFFFF  }
0xa6: {  	s26 =	simm.s32 $execute0_lowered;
	[smem:$0x3FD2] =	sst s25  }
0xa7: {  	s6 =	sshll.u32 s26, $0x1;
	_ =	strace $0x80000046;
	[dreg:$0x1] =	wrdreg $0xFFFFFFFF  }
0xa8: {  	s28 =	simm.s32 $_size_execute0_lowered;
	s4 =	sadd.s32 s4, s6;
	[dreg:$0x0] =	wrdreg $0x0  }
0xa9: {  	s6 =	sshll.u32 s28, $0x1;
	[dreg:$0x2] =	wrdreg s4  }
0xaa: {  	[dreg:$0x3] =	wrdreg s6  }
0xab: {  	[dreg:$0x4] =	wrdreg $0xC0  }
0xac: {  	_ =	task [dreg:s8], $0x5FFFF  }
0xad: {  	[dreg:$0x1] =	wrdreg $0xFFFFFFFF  }
0xae: {  	[dreg:$0x0] =	wrdreg $0x60  }
0xaf: {  	[dreg:$0x2] =	wrdreg s2  }
0xb0: {  	[dreg:$0x3] =	wrdreg s24  }
0xb1: {  	[dreg:$0x4] =	wrdreg s18  }
0xb2: {  	[dreg:$0x5] =	wrdreg $0x9  }
0xb3: {  	_ =	task.clear_ibuf [dreg:s8], $0x6FFFF;
	_ =	strace $0x90000046  }
0xb4: {  	s29 =	simm.s32 $0x9;
	_ =	strace $0x80000048  }
0xb5: {  	_ =	swait.ge [sflag:s29], $0x1  }
0xb6: {  	[sflag:s29] =	ssyncadd.s32 $0xFFFFFFFF  }
0xb7: {  	_ =	strace $0x90000048  }
0xb8: {  	_ =	sfence  }
0xb9: {  	s30 =	sld [smem:$0x0];
	_ =	sdelay $0x2  }
0xba: {  	s31 =	sshll.u32 s1, $0xD;
	s1 =	sshrl.u32 s1, $0x2  }
0xbb: {  	s3 =	sand.u32 $0x4000, s31;
	s1 =	sadd.s32 s1, s30  }
0xbc: {  	s0 =	sor.u32 s3, s0;
	s1 =	sshll.u32 s1, $0x11  }
0xbd: {  	s0 =	sor.u32 s1, s0  }
0xbe: {  	s0 =	sadd.s32 $0x8F2B, s0  }
0xbf: {  	[sflag:s0] =	ssyncadd.remote.s32 $0x1  }
0xc0: {  	_ =	sfence.sel $0xFFFF  }
0xc1: {  	[dreg:$0x0] =	wrdreg $0xFFFFFFFF;
	(pc) =	sbr.abs _section_cstart, $3  }
0xc2: {  	[dreg:$0x1] =	wrdreg $0xFFFFFFFF  }
0xc3: {  	_ =	task.clear_ibuf [dreg:s8], $0x2FFFF;
	_ =	strace $0x9FFFFFFF  }
0xc4: {  	(tm) =	ssettm $0x7FFFFFFF  }
0xc5: {  	_ =	shalt  }
tec
execute0_lowered:
.L_overlay_start_1:
0x0: {  	(tag) =	ssettag $0x1  }
0x1: {  	s0 =	rddreg [dreg:$0x0]  }
0x2: {  	s6 =	rddreg [dreg:$0x1]  }
0x3: {  	s1 =	rddreg [dreg:$0x2];
	s2 =	srdreg.scid  }
0x4: {  	[dreg:$0x4] =	wrdreg s1;
	s4 =	sand.u32 $0x1, s2;
	s2 =	simm.s32 $0x0  }
0x5: {  	s12 =	simm.s32 $0x880;
	[smem:$0x7FF] =	sst s2  }
0x6: {  	s13 =	simm.s32 $0x1080;
	_ =	strace $0x80000047;
	[dreg:$0x8] =	wrdreg s12  }
0x7: {  	s9 =	stileid.u32;
	s14 =	simm.s32 $0x1880;
	[dreg:$0x9] =	wrdreg s13  }
0x8: {  	s15 =	simm.s32 $0x2080;
	s16 =	simm.s32 $0x2880;
	[dreg:$0xa] =	wrdreg s14  }
0x9: {  	s17 =	simm.s32 $0x3080;
	s19 =	simm.s32 $0x3880;
	[dreg:$0xb] =	wrdreg s15  }
0xa: {  	s21 =	simm.s32 $0x4080;
	s22 =	simm.s32 $0x4880;
	[dreg:$0xc] =	wrdreg s16  }
0xb: {  	s23 =	simm.s32 $0x5080;
	s24 =	simm.s32 $0x5880;
	[dreg:$0xd] =	wrdreg s17  }
0xc: {  	s25 =	simm.s32 $0x6080;
	s8 =	simm.s32 $0x80;
	[dreg:$0xe] =	wrdreg s19  }
0xd: {  	s26 =	simm.s32 $0x6880;
	s28 =	simm.s32 $0xF080;
	[dreg:$0xf] =	wrdreg s21  }
0xe: {  	s29 =	simm.s32 $0xF880;
	s30 =	simm.s32 $0x40;
	[dreg:$0x10] =	wrdreg s22  }
0xf: {  	s31 =	simm.s32 $0x1;
	s3 =	sshll.u32 s9, $0x7;
	[dreg:$0x11] =	wrdreg s23  }
0x10: {  	s9 =	simm.s32 $0x3;
	s5 =	sshll.u32 s4, $0x6;
	[dreg:$0x12] =	wrdreg s24  }
0x11: {  	s4 =	ssub.s32 $0x2, s4;
	s3 =	sor.u32 s5, s3;
	[dreg:$0x13] =	wrdreg s25  }
0x12: {  	s18 =	sshrl.u32 s4, $0x1;
	[dreg:$0x14] =	wrdreg s26;
	s12 =	simm.s32 $0x7880  }
0x13: {  	s13 =	simm.s32 $0x8080;
	s14 =	simm.s32 $0x8880;
	s15 =	simm.s32 $0x9080  }
0x14: {  	s16 =	simm.s32 $0x9880;
	s17 =	simm.s32 $0xA080;
	s19 =	simm.s32 $0xB080  }
0x15: {  	s21 =	simm.s32 $0xC080;
	s22 =	simm.s32 $0xC880;
	s23 =	simm.s32 $0xD080  }
0x16: {  	s24 =	simm.s32 $0xD880;
	s25 =	simm.s32 $0xE080;
	s26 =	simm.s32 $0xE880  }
0x17: {  	s5 =	sshll.u32 s3, $0x4;
	s7 =	sshll.u32 s3, $0x7;
	s3 =	sshrl.u32 s3, $0x3  }
0x18: {  	s20 =	ssub.s32 s4, s18;
	s4 =	sadd.s32 $0x8500, s6;
	s18 =	simm.s32 $0xA880  }
0x19: {  	s5 =	sadd.s32 s5, s6;
	s0 =	sadd.s32 s0, s7;
	s3 =	sadd.s32 s3, s6  }
0x1a: {  	s7 =	smax.u32 s20, $0x1;
	s20 =	simm.s32 $0xB880;
	[dreg:$0x5] =	wrdreg s0  }
0x1b: {  	v2 =	vlaneseq.u32;
	s10 =	sadd.s32 $0x200, s5;
	s11 =	sadd.s32 $0x8200, s3;
	s3 =	sadd.s32 $0x8400, s6  }
0x1c: {  	vm0 =	vmmov $0xffff;
	v1 =	vshrl.u32 v2, $0x3;
	s5 =	sadd.s32 $0x8600, s6;
	s6 =	sadd.s32 $0x8700, s6;
	[dreg:$0x6] =	wrdreg s10  }
0x1d: {  	v0 =	vand.u32 $0x7, v2;
	v2 =	vor.u32 $0x8, v2;
	v1 =	vmul.u32 $0x8, v1;
	s0 =	simm.s32 $0x2;
	[dreg:$0x7] =	wrdreg s11;
	s10 =	simm.s32 $0x10080  }
.LBB2_1:
0x1e: {  	s1 =	rddreg [dreg:$0x5]  }
0x1f: {  	[tilespmem:s8], [sflag:$0x3] =	stream.linear.gather [hbm4b:s1+s2], $0x10000, $0x38;
	[tilespmem:$0x12080] =	vst v63  }
0x20: {  	_ =	swait.ge [sflag:s9], $0x10000  }
0x21: {  	[sflag:s9] =	ssyncset.done $0x0  }
0x22: {  	s11 =	rddreg [dreg:$0x6];
	[sflag:s9] =	ssyncadd.s32 $0xFFFF0000  }
0x23: {  	[tilespmem:s10], [sflag:$0x3] =	stream.linear.gather [hbm4b:s11+s2], $0x2000, $0x38;
	[tilespmem:$0x12080] =	vst v63  }
0x24: {  	_ =	swait.ge [sflag:s9], $0x2000  }
0x25: {  	[sflag:s9] =	ssyncset.done $0x0  }
0x26: {  	s11 =	rddreg [dreg:$0x7];
	[sflag:s9] =	ssyncadd.s32 $0xFFFFE000  }
0x27: {  	[tilespmem:s2], [sflag:$0x3] =	stream.linear.gather [hbm4b:s11+s2], $0x40, $0x38;
	[tilespmem:$0x12080] =	vst v63  }
0x28: {  	_ =	swait.ge [sflag:s9], $0x40  }
0x29: {  	[sflag:s9] =	ssyncset.done $0x0  }
0x2a: {  	[sflag:s9] =	ssyncadd.s32 $0xFFFFFFC0  }
0x2b: {  	v3 =	vld [tilespmem:$0x0];
	_ =	sdelay $0x4  }
0x2c: {  	v4 =	vshll.u32 v3, $0x3  }
0x2d: {  	v3 =	vand.u32 $0x7, v3;
	v4 =	vand.u32 $0xFFFFFFC0, v4  }
0x2e: {  	v3 =	vor.u32 v3, v4  }
0x2f: {  	v4 =	vperm.xlane v3, v0;
	_ =	sdelay $0x1  }
0x30: {  	v4 =	vadd.s32 v1, v4;
	_ =	sdelay $0x4  }
0x31: {  	[hbm4b:s3+s2] =	stream.indirect_vreg.scatter [tilespmem:s8], [sflag:$0x1], $0x80, v4, vm0, $0xb8;
	[tilespmem:$0x12080] =	vst v63  }
0x32: {  	s1 =	rddreg [dreg:$0x8];
	v3 =	vperm.xlane v3, v2  }
0x33: {  	[hbm4b:s4+s2] =	stream.indirect_vreg.scatter [tilespmem:s1], [sflag:$0x1], $0x80, v4, vm0, $0xb8;
	[tilespmem:$0x12080] =	vst v63  }
0x34: {  	s11 =	rddreg [dreg:$0x9];
	v3 =	vadd.s32 v1, v3  }
0x35: {  	[hbm4b:s5+s2] =	stream.indirect_vreg.scatter [tilespmem:s11], [sflag:$0x1], $0x80, v4, vm0, $0xb8;
	[tilespmem:$0x12080] =	vst v63  }
0x36: {  	s1 =	rddreg [dreg:$0xa]  }
0x37: {  	[hbm4b:s6+s2] =	stream.indirect_vreg.scatter [tilespmem:s1], [sflag:$0x1], $0x80, v4, vm0, $0xb8;
	[tilespmem:$0x12080] =	vst v63  }
0x38: {  	s11 =	rddreg [dreg:$0xb]  }
0x39: {  	[hbm4b:s3+s2] =	stream.indirect_vreg.scatter [tilespmem:s11], [sflag:$0x1], $0x80, v3, vm0, $0xb8;
	[tilespmem:$0x12080] =	vst v63  }
0x3a: {  	s1 =	rddreg [dreg:$0xc]  }
0x3b: {  	[hbm4b:s4+s2] =	stream.indirect_vreg.scatter [tilespmem:s1], [sflag:$0x1], $0x80, v3, vm0, $0xb8;
	[tilespmem:$0x12080] =	vst v63  }
0x3c: {  	s11 =	rddreg [dreg:$0xd]  }
0x3d: {  	[hbm4b:s5+s2] =	stream.indirect_vreg.scatter [tilespmem:s11], [sflag:$0x1], $0x80, v3, vm0, $0xb8;
	[tilespmem:$0x12080] =	vst v63  }
0x3e: {  	s1 =	rddreg [dreg:$0xe]  }
0x3f: {  	[hbm4b:s6+s2] =	stream.indirect_vreg.scatter [tilespmem:s1], [sflag:$0x1], $0x80, v3, vm0, $0xb8;
	[tilespmem:$0x12080] =	vst v63  }
0x40: {  	v3 =	vld [tilespmem:$0x10];
	_ =	sdelay $0x4  }
0x41: {  	v61 =	vshll.u32 v3, $0x3  }
0x42: {  	v3 =	vand.u32 $0x7, v3;
	v4 =	vand.u32 $0xFFFFFFC0, v61  }
0x43: {  	v3 =	vor.u32 v3, v4  }
0x44: {  	v4 =	vperm.xlane v3, v0;
	_ =	sdelay $0x1  }
0x45: {  	v4 =	vadd.s32 v1, v4;
	_ =	sdelay $0x3  }
0x46: {  	s1 =	rddreg [dreg:$0xf]  }
0x47: {  	[hbm4b:s3+s2] =	stream.indirect_vreg.scatter [tilespmem:s1], [sflag:$0x1], $0x80, v4, vm0, $0xb8;
	[tilespmem:$0x12080] =	vst v63  }
0x48: {  	s11 =	rddreg [dreg:$0x10];
	v3 =	vperm.xlane v3, v2  }
0x49: {  	[hbm4b:s4+s2] =	stream.indirect_vreg.scatter [tilespmem:s11], [sflag:$0x1], $0x80, v4, vm0, $0xb8;
	[tilespmem:$0x12080] =	vst v63  }
0x4a: {  	v3 =	vadd.s32 v1, v3;
	s1 =	rddreg [dreg:$0x11]  }
0x4b: {  	[hbm4b:s5+s2] =	stream.indirect_vreg.scatter [tilespmem:s1], [sflag:$0x1], $0x80, v4, vm0, $0xb8;
	[tilespmem:$0x12080] =	vst v63  }
0x4c: {  	s11 =	rddreg [dreg:$0x12]  }
0x4d: {  	[hbm4b:s6+s2] =	stream.indirect_vreg.scatter [tilespmem:s11], [sflag:$0x1], $0x80, v4, vm0, $0xb8;
	[tilespmem:$0x12080] =	vst v63  }
0x4e: {  	s1 =	rddreg [dreg:$0x13]  }
0x4f: {  	[hbm4b:s3+s2] =	stream.indirect_vreg.scatter [tilespmem:s1], [sflag:$0x1], $0x80, v3, vm0, $0xb8;
	[tilespmem:$0x12080] =	vst v63  }
0x50: {  	s11 =	rddreg [dreg:$0x14]  }
0x51: {  	[hbm4b:s4+s2] =	stream.indirect_vreg.scatter [tilespmem:s11], [sflag:$0x1], $0x80, v3, vm0, $0xb8;
	[tilespmem:$0x12080] =	vst v63  }
0x52: {  	s11 =	simm.s32 $0x7080  }
0x53: {  	[hbm4b:s5+s2] =	stream.indirect_vreg.scatter [tilespmem:s11], [sflag:$0x1], $0x80, v3, vm0, $0xb8;
	[tilespmem:$0x12080] =	vst v63  }
0x54: {  	_ = 	snop  }
0x55: {  	[hbm4b:s6+s2] =	stream.indirect_vreg.scatter [tilespmem:s12], [sflag:$0x1], $0x80, v3, vm0, $0xb8;
	[tilespmem:$0x12080] =	vst v63  }
0x56: {  	v3 =	vld [tilespmem:$0x20];
	_ =	sdelay $0x4  }
0x57: {  	v62 =	vshll.u32 v3, $0x3  }
0x58: {  	v3 =	vand.u32 $0x7, v3;
	v4 =	vand.u32 $0xFFFFFFC0, v62  }
0x59: {  	v3 =	vor.u32 v3, v4  }
0x5a: {  	v4 =	vperm.xlane v3, v0;
	_ =	sdelay $0x1  }
0x5b: {  	v4 =	vadd.s32 v1, v4;
	_ =	sdelay $0x4  }
0x5c: {  	[hbm4b:s3+s2] =	stream.indirect_vreg.scatter [tilespmem:s13], [sflag:$0x1], $0x80, v4, vm0, $0xb8;
	[tilespmem:$0x12080] =	vst v63  }
0x5d: {  	v3 =	vperm.xlane v3, v2  }
0x5e: {  	[hbm4b:s4+s2] =	stream.indirect_vreg.scatter [tilespmem:s14], [sflag:$0x1], $0x80, v4, vm0, $0xb8;
	[tilespmem:$0x12080] =	vst v63  }
0x5f: {  	v3 =	vadd.s32 v1, v3  }
0x60: {  	[hbm4b:s5+s2] =	stream.indirect_vreg.scatter [tilespmem:s15], [sflag:$0x1], $0x80, v4, vm0, $0xb8;
	[tilespmem:$0x12080] =	vst v63  }
0x61: {  	_ = 	snop  }
0x62: {  	[hbm4b:s6+s2] =	stream.indirect_vreg.scatter [tilespmem:s16], [sflag:$0x1], $0x80, v4, vm0, $0xb8;
	[tilespmem:$0x12080] =	vst v63  }
0x63: {  	_ = 	snop  }
0x64: {  	[hbm4b:s3+s2] =	stream.indirect_vreg.scatter [tilespmem:s17], [sflag:$0x1], $0x80, v3, vm0, $0xb8;
	[tilespmem:$0x12080] =	vst v63  }
0x65: {  	_ = 	snop  }
0x66: {  	[hbm4b:s4+s2] =	stream.indirect_vreg.scatter [tilespmem:s18], [sflag:$0x1], $0x80, v3, vm0, $0xb8;
	[tilespmem:$0x12080] =	vst v63  }
0x67: {  	_ = 	snop  }
0x68: {  	[hbm4b:s5+s2] =	stream.indirect_vreg.scatter [tilespmem:s19], [sflag:$0x1], $0x80, v3, vm0, $0xb8;
	[tilespmem:$0x12080] =	vst v63  }
0x69: {  	_ = 	snop  }
0x6a: {  	[hbm4b:s6+s2] =	stream.indirect_vreg.scatter [tilespmem:s20], [sflag:$0x1], $0x80, v3, vm0, $0xb8;
	[tilespmem:$0x12080] =	vst v63  }
0x6b: {  	v3 =	vld [tilespmem:$0x30];
	_ =	sdelay $0x4  }
0x6c: {  	v63 =	vshll.u32 v3, $0x3  }
0x6d: {  	v3 =	vand.u32 $0x7, v3;
	v4 =	vand.u32 $0xFFFFFFC0, v63  }
0x6e: {  	v3 =	vor.u32 v3, v4  }
0x6f: {  	v4 =	vperm.xlane v3, v0;
	_ =	sdelay $0x1  }
0x70: {  	v4 =	vadd.s32 v1, v4;
	_ =	sdelay $0x4  }
0x71: {  	[hbm4b:s3+s2] =	stream.indirect_vreg.scatter [tilespmem:s21], [sflag:$0x1], $0x80, v4, vm0, $0xb8;
	[tilespmem:$0x12080] =	vst v63  }
0x72: {  	v3 =	vperm.xlane v3, v2  }
0x73: {  	[hbm4b:s4+s2] =	stream.indirect_vreg.scatter [tilespmem:s22], [sflag:$0x1], $0x80, v4, vm0, $0xb8;
	[tilespmem:$0x12080] =	vst v63  }
0x74: {  	v3 =	vadd.s32 v1, v3  }
0x75: {  	[hbm4b:s5+s2] =	stream.indirect_vreg.scatter [tilespmem:s23], [sflag:$0x1], $0x80, v4, vm0, $0xb8;
	[tilespmem:$0x12080] =	vst v63  }
0x76: {  	_ = 	snop  }
0x77: {  	[hbm4b:s6+s2] =	stream.indirect_vreg.scatter [tilespmem:s24], [sflag:$0x1], $0x80, v4, vm0, $0xb8;
	[tilespmem:$0x12080] =	vst v63  }
0x78: {  	_ = 	snop  }
0x79: {  	[hbm4b:s3+s2] =	stream.indirect_vreg.scatter [tilespmem:s25], [sflag:$0x1], $0x80, v3, vm0, $0xb8;
	[tilespmem:$0x12080] =	vst v63  }
0x7a: {  	_ = 	snop  }
0x7b: {  	[hbm4b:s4+s2] =	stream.indirect_vreg.scatter [tilespmem:s26], [sflag:$0x1], $0x80, v3, vm0, $0xb8;
	[tilespmem:$0x12080] =	vst v63  }
0x7c: {  	_ = 	snop  }
0x7d: {  	[hbm4b:s5+s2] =	stream.indirect_vreg.scatter [tilespmem:s28], [sflag:$0x1], $0x80, v3, vm0, $0xb8;
	[tilespmem:$0x12080] =	vst v63  }
0x7e: {  	_ = 	snop  }
0x7f: {  	[hbm4b:s6+s2] =	stream.indirect_vreg.scatter [tilespmem:s29], [sflag:$0x1], $0x80, v3, vm0, $0xb8;
	[tilespmem:$0x12080] =	vst v63  }
0x80: {  	s11 =	rddreg [dreg:$0x4]  }
0x81: {  	[hbm4b:s11+s30] =	stream.indirect.scatter [tilespmem:s10], [sflag:$0x2], $0x80, s2, s30, $0xb8;
	[tilespmem:$0x12080] =	vst v63  }
0x82: {  	p0 =	sne.s32 s7, $0x1;
	_ =	swait.ge [sflag:s31], $0x10000  }
.Ltmp0:
0x83: {  	[sflag:s31] =	ssyncset.done $0x0;
	(pc) =	sbr.rel @p0 .LBB2_1-.Ltmp0, $4  }
0x84: {  	[sflag:s31] =	ssyncadd.s32 $0xFFFF0000  }
0x85: {  	_ =	swait.ge [sflag:s0], $0x2000  }
0x86: {  	[sflag:s0] =	ssyncset.done $0x0  }
0x87: {  	s7 =	sadd.s32 $0xFFFFFFFF, s7;
	[sflag:s0] =	ssyncadd.s32 $0xFFFFE000  }
0x88: {  	_ =	sfence.sel $0x180000  }
0x89: {  	[bflag:$0x0] =	sbarrier.arrive $0xFFFF  }
0x8a: {  	_ =	strace $0x90000047  }
0x8b: {  	s0 =	stileid.u32;
	[bflag:$0x2] =	sbarrier.arrive $0xFFFF  }
0x8c: {  	p0 =	sne.s32 s0, $0x0;
	s0 =	rddreg [dreg:$0x3]  }
0x8d: {  	s0 =	sadd.s32 @!p0 $0x100000, s0  }
0x8e: {  	[sflag:s0] =	ssyncadd.tile.s32 @!p0 $0x1;
	_ =	shalt  }
.Lfunc_end2:
_tile_overlayer_lowered:
.L_overlay_start_2:
0x8f: {  	(tag) =	ssettag $0x2  }
0x90: {  	s0 =	rddreg [dreg:$0x0];
	s2 =	stileid.u32  }
0x91: {  	s1 =	rddreg [dreg:$0x1];
	p0 =	sne.s32 s2, $0x0  }
0x92: {  	s3 =	rddreg [dreg:$0x2];
	[bflag:$0x3] =	sbarrier.arrive $0xFFFF;
	s2 =	simm.s32 @!p0 $0x1C03  }
0x93: {  	[timem:s3], [sflag:s2] =	dma.local @!p0 [hbm:s0], s1  }
0x94: {  	s0 =	simm.s32 @!p0 $0x3  }
0x95: {  	_ =	swait.ge @!p0 [sflag:s0], s1  }
0x96: {  	s1 =	ssub.s32 @!p0 $0x0, s1;
	[sflag:s0] =	ssyncset.done @!p0 $0x0  }
0x97: {  	[sflag:s0] =	ssyncadd.s32 @!p0 s1  }
0x98: {  	[bflag:$0x3] =	sbarrier.arrive $0xFFFF  }
0x99: {  	_ =	shalt  }

// kernel: kernel.9.cloned.1.call-start
scs
__scs_entry_jumppad:
0x0: {  	(pc) =	sbr.rel $0x88, $3  }
0x1: {  	(tag) =	ssettag $0x0;
	lr =	simm.s32 $0x1  }
0x2: {  	[smem:$0x3F9E] =	sst lr;
	_ =	strace $0xD0000000  }
0x3: {  	_ = 	snop  }
0x4: {  	_ = 	snop  }
0x5: {  	_ = 	snop  }
0x6: {  	_ = 	snop  }
0x7: {  	_ = 	snop  }
__scs_overlays_trampoline_lowered:
0x8: {  	[smem:$0x3FAD] =	sst s0  }
0x9: {  	[smem:$0x3FAE] =	sst s1  }
0xa: {  	[smem:$0x3FAF] =	sst s2  }
0xb: {  	[smem:$0x3FB0] =	sst s3  }
0xc: {  	[smem:$0x3FB1] =	sst s4  }
0xd: {  	[smem:$0x3FB2] =	sst s5  }
0xe: {  	[smem:$0x3FB3] =	sst s6  }
0xf: {  	[smem:$0x3FB4] =	sst s7  }
0x10: {  	[smem:$0x3FB5] =	sst s8  }
0x11: {  	[smem:$0x3FB6] =	sst s9;
	s0 =	simm.s32 @!p0 $0x0  }
0x12: {  	s1 =	sld [smem:$0x3F9C];
	s0 =	simm.s32 @p0 $0x1  }
0x13: {  	[smem:$0x3FB7] =	sst s0;
	s0 =	simm.s32 @!p1 $0x0  }
0x14: {  	s2 =	sld [smem:$0x3F9B];
	s0 =	simm.s32 @p1 $0x1  }
0x15: {  	[smem:$0x3FB8] =	sst s0;
	s0 =	simm.s32 @!p2 $0x0  }
0x16: {  	s3 =	sld [smem:$0x3FDB];
	s0 =	simm.s32 @p2 $0x1  }
0x17: {  	s4 =	simm.s32 $0x1BF5;
	[smem:$0x3FBA] =	sst s0  }
0x18: {  	s0 =	sld [smem:$0x3F9D];
	_ =	swait.ge [sflag:s4], $0x0  }
0x19: {  	s7 =	sld [smem:$0x3F9E]  }
0x1a: {  	s8 =	sadd.s32 $0xFFFFE003, lr  }
0x1b: {  	s9 =	sadd.s32 $0xFFFFFEF7, lr;
	s5 =	simm.s32 $0xFFFFFFFF;
	p2 =	slt.u32 s8, $0xFFFFF086  }
0x1c: {  	p1 =	slt.u32 s9, $0xF7A;
	s5 =	simm.s32 @!p2 $0x0  }
0x1d: {  	s5 =	simm.s32 @p1 $0x1;
	p0 =	seq.s32 s7, s2  }
0x1e: {  	s7 =	smul.u32 @!p0 $0xF7A, s2;
	p2 =	seq.s32 @!p0 s5, $0x0  }
0x1f: {  	s9 =	smul.u32 $0xF7A, s1;
	s8 =	simm.s32 @!p0 $0x1BF5;
	p2 =	por !p2, p0  }
0x20: {  	[sflag:s8] =	ssyncset.s32 @!p0 $0xFFFFF086;
	s6 =	sadd.s32 @!p0 s3, s7;
	s7 =	simm.s32 @!p0 $0x108  }
0x21: {  	s3 =	sadd.s32 s3, s9;
	s6 =	sadd.s32 @!p0 $0x88, s6;
	s7 =	simm.s32 @p2 $0x1082  }
0x22: {  	[simem:s7], [sflag:s8] =	dma.local @!p0 [hbm:s6], $0xF7A  }
0x23: {  	s9 =	sor.u32 $0xD0000000, s2;
	s6 =	simm.s32 $0x108;
	_ =	swait.ge @!p0 [sflag:s8], $0x0  }
0x24: {  	s3 =	sadd.s32 $0x88, s3;
	s6 =	simm.s32 @!p1 $0x1082;
	[sflag:s4] =	ssyncset.s32 $0xFFFFF086  }
0x25: {  	[simem:s6], [sflag:s4] =	dma.local [hbm:s3], $0xF7A  }
0x26: {  	[smem:$0x3F9E] =	sst s1;
	(tag) =	ssettag s2;
	_ =	strace s9  }
0x27: {  	s1 =	sld [smem:$0x3FAE]  }
0x28: {  	s2 =	sld [smem:$0x3FAF]  }
0x29: {  	s4 =	sld [smem:$0x3FB1]  }
0x2a: {  	p0 =	seq.s32 s5, $0x0;
	s5 =	sld [smem:$0x3FB2]  }
0x2b: {  	s6 =	sld [smem:$0x3FB3]  }
0x2c: {  	s7 =	sld [smem:$0x3FB4]  }
0x2d: {  	s3 =	simm.s32 $0x108;
	s8 =	sld [smem:$0x3FB5]  }
0x2e: {  	s3 =	simm.s32 @!p0 $0x1082;
	s9 =	sld [smem:$0x3FB6]  }
0x2f: {  	lr =	sadd.s32 s0, s3;
	s0 =	sld [smem:$0x3FAD]  }
0x30: {  	s3 =	sld [smem:$0x3FB0]  }
0x31: {  	[smem:$0x3FB9] =	sst s10  }
0x32: {  	s10 =	sld [smem:$0x3FB7];
	_ =	sdelay $0x3  }
0x33: {  	p0 =	seq.s32 s10, $0x1;
	s10 =	sld [smem:$0x3FB9];
	_ =	sdelay $0x3  }
0x34: {  	[smem:$0x3FB9] =	sst s10  }
0x35: {  	s10 =	sld [smem:$0x3FB8];
	_ =	sdelay $0x3  }
0x36: {  	p1 =	seq.s32 s10, $0x1;
	s10 =	sld [smem:$0x3FB9];
	_ =	sdelay $0x3  }
0x37: {  	[smem:$0x3FB9] =	sst s10  }
0x38: {  	s10 =	sld [smem:$0x3FBA]  }
0x39: {  	_ = 	snop;
	(pc) =	sbr.ind lr, $3  }
0x3a: {  	_ = 	snop  }
0x3b: {  	_ = 	snop  }
0x3c: {  	p2 =	seq.s32 s10, $0x1;
	s10 =	sld [smem:$0x3FB9]  }
0x3d: {  	_ =	shalt  }
0x3e: {  	_ =	shalt  }
0x3f: {  	_ =	shalt  }
0x40: {  	_ =	shalt  }
0x41: {  	_ =	shalt  }
0x42: {  	_ =	shalt  }
0x43: {  	_ =	shalt  }
0x44: {  	_ =	shalt  }
0x45: {  	_ =	shalt  }
0x46: {  	_ =	shalt  }
0x47: {  	_ =	shalt  }
0x48: {  	_ =	shalt  }
0x49: {  	_ =	shalt  }
0x4a: {  	_ =	shalt  }
0x4b: {  	_ =	shalt  }
0x4c: {  	_ =	shalt  }
0x4d: {  	_ =	shalt  }
0x4e: {  	_ =	shalt  }
0x4f: {  	_ =	shalt  }
0x50: {  	_ =	shalt  }
0x51: {  	_ =	shalt  }
0x52: {  	_ =	shalt  }
0x53: {  	_ =	shalt  }
0x54: {  	_ =	shalt  }
0x55: {  	_ =	shalt  }
0x56: {  	_ =	shalt  }
0x57: {  	_ =	shalt  }
0x58: {  	_ =	shalt  }
0x59: {  	_ =	shalt  }
0x5a: {  	_ =	shalt  }
0x5b: {  	_ =	shalt  }
0x5c: {  	_ =	shalt  }
0x5d: {  	_ =	shalt  }
0x5e: {  	_ =	shalt  }
0x5f: {  	_ =	shalt  }
0x60: {  	_ =	shalt  }
0x61: {  	_ =	shalt  }
0x62: {  	_ =	shalt  }
0x63: {  	_ =	shalt  }
0x64: {  	_ =	shalt  }
0x65: {  	_ =	shalt  }
0x66: {  	_ =	shalt  }
0x67: {  	_ =	shalt  }
0x68: {  	_ =	shalt  }
0x69: {  	_ =	shalt  }
0x6a: {  	_ =	shalt  }
0x6b: {  	_ =	shalt  }
0x6c: {  	_ =	shalt  }
0x6d: {  	_ =	shalt  }
0x6e: {  	_ =	shalt  }
0x6f: {  	_ =	shalt  }
0x70: {  	_ =	shalt  }
0x71: {  	_ =	shalt  }
0x72: {  	_ =	shalt  }
0x73: {  	_ =	shalt  }
0x74: {  	_ =	shalt  }
0x75: {  	_ =	shalt  }
0x76: {  	_ =	shalt  }
0x77: {  	_ =	shalt  }
0x78: {  	_ =	shalt  }
0x79: {  	_ =	shalt  }
0x7a: {  	_ =	shalt  }
0x7b: {  	_ =	shalt  }
0x7c: {  	_ =	shalt  }
0x7d: {  	_ =	shalt  }
0x7e: {  	_ =	shalt  }
0x7f: {  	_ =	shalt  }
0x80: {  	_ =	shalt  }
0x81: {  	_ =	shalt  }
0x82: {  	_ =	shalt  }
0x83: {  	_ =	shalt  }
0x84: {  	_ =	shalt  }
0x85: {  	_ =	shalt  }
0x86: {  	_ =	shalt  }
0x87: {  	_ =	shalt  }
.Lfunc_end0:
.L_simem_size_0:
called_computation.1_lowered:
.L_overlay_start_0:
0x88: {  	s2 =	sld [smem:$0x3FD9]  }
0x89: {  	s3 =	sld [smem:$0x3FFE];
	_ =	sdelay $0x1  }
0x8a: {  	s1 =	srdreg.scid  }
0x8b: {  	s0 =	sand.u32 $0x1, s1  }
0x8c: {  	s17 =	sshll.u32 s0, $0xA;
	s2 =	sadd.s32 s3, s2  }
0x8d: {  	s2 =	sadd.s32 s2, s17  }
0x8e: {  	[smem:$0x3FC5] =	sst s2  }
0x8f: {  	_ = 	snop  }
0x90: {  	s2 =	sld [smem:$0x3FD0];
	(tm) =	ssettm $0x1  }
0x91: {  	s18 =	sld [smem:$0x3FFB];
	_ =	sdelay $0x3  }
0x92: {  	_ =	strace s18  }
0x93: {  	s3 =	sld [smem:$0x3FFC];
	_ =	sdelay $0x3  }
0x94: {  	_ =	strace s3  }
0x95: {  	s3 =	sld [smem:$0x3FFD];
	_ =	sdelay $0x3  }
0x96: {  	_ =	strace s3  }
0x97: {  	_ =	strace $0x8FFFFFFF  }
0x98: {  	s19 =	sld [smem:$0x3FDB];
	_ =	sdelay $0x1  }
0x99: {  	s4 =	simm.s32 $_scs_section_size  }
0x9a: {  	s5 =	simm.s32 $_size__tile_overlayer_lowered;
	s6 =	simm.s32 $_tile_overlayer_lowered  }
0x9b: {  	s22 =	simm.s32 $0x1BFF;
	s21 =	sshll.u32 s6, $0x1;
	s3 =	sadd.s32 s4, s19  }
0x9c: {  	s7 =	simm.s32 $0x0;
	s20 =	sshll.u32 s5, $0x1;
	s5 =	sadd.s32 s21, s3  }
0x9d: {  	[timem:s7], [sflag:s22] =	dma.local [hbm:s5], s20  }
0x9e: {  	_ =	swait.ge [sflag:s22], s20  }
0x9f: {  	s4 =	ssub.s32 $0x0, s20;
	[sflag:s22] =	ssyncset.done $0x0  }
0xa0: {  	[sflag:s22] =	ssyncadd.s32 s4;
	_ =	sdelay $0x1  }
0xa1: {  	s23 =	simm.s32 $0x1B8B  }
0xa2: {  	_ =	swait.ge [sflag:s23], $0x1  }
0xa3: {  	[sflag:s23] =	ssyncset.done $0x0  }
0xa4: {  	s25 =	simm.s32 $0x1B8E;
	s24 =	sld [smem:$0x3FFE];
	[sflag:s23] =	ssyncadd.s32 $0xFFFFFFFF  }
0xa5: {  	s26 =	simm.s32 $execute0_lowered;
	[smem:$0x3FD2] =	sst s25  }
0xa6: {  	s5 =	sshll.u32 s26, $0x1;
	_ =	strace $0x80000049;
	[dreg:$0x1] =	wrdreg $0xFFFFFFFF  }
0xa7: {  	s28 =	simm.s32 $_size_execute0_lowered;
	s3 =	sadd.s32 s3, s5;
	[dreg:$0x0] =	wrdreg $0x0  }
0xa8: {  	s5 =	sshll.u32 s28, $0x1;
	[dreg:$0x2] =	wrdreg s3  }
0xa9: {  	[dreg:$0x3] =	wrdreg s5  }
0xaa: {  	[dreg:$0x4] =	wrdreg $0xC0  }
0xab: {  	_ =	task [dreg:s7], $0x5FFFF  }
0xac: {  	[dreg:$0x1] =	wrdreg $0xFFFFFFFF  }
0xad: {  	[dreg:$0x0] =	wrdreg $0x60  }
0xae: {  	[dreg:$0x2] =	wrdreg s24  }
0xaf: {  	[dreg:$0x3] =	wrdreg s2  }
0xb0: {  	[dreg:$0x4] =	wrdreg $0x9  }
0xb1: {  	_ =	task.clear_ibuf [dreg:s7], $0x5FFFF;
	_ =	strace $0x90000049  }
0xb2: {  	s29 =	simm.s32 $0x9;
	_ =	strace $0x8000004B  }
0xb3: {  	_ =	swait.ge [sflag:s29], $0x1  }
0xb4: {  	[sflag:s29] =	ssyncadd.s32 $0xFFFFFFFF  }
0xb5: {  	_ =	strace $0x9000004B  }
0xb6: {  	_ =	sfence  }
0xb7: {  	s30 =	sld [smem:$0x0];
	_ =	sdelay $0x2  }
0xb8: {  	s31 =	sshll.u32 s1, $0xD;
	s1 =	sshrl.u32 s1, $0x2  }
0xb9: {  	s3 =	sand.u32 $0x4000, s31;
	s1 =	sadd.s32 s1, s30  }
0xba: {  	s0 =	sor.u32 s3, s0;
	s1 =	sshll.u32 s1, $0x11  }
0xbb: {  	s0 =	sor.u32 s1, s0  }
0xbc: {  	s0 =	sadd.s32 $0x8F2B, s0  }
0xbd: {  	[sflag:s0] =	ssyncadd.remote.s32 $0x1  }
0xbe: {  	_ =	sfence.sel $0xFFFF  }
0xbf: {  	[dreg:$0x0] =	wrdreg $0xFFFFFFFF;
	(pc) =	sbr.abs _section_cstart, $3  }
0xc0: {  	[dreg:$0x1] =	wrdreg $0xFFFFFFFF  }
0xc1: {  	_ =	task.clear_ibuf [dreg:s7], $0x2FFFF;
	_ =	strace $0x9FFFFFFF  }
0xc2: {  	(tm) =	ssettm $0x7FFFFFFF  }
0xc3: {  	_ =	shalt  }
tec
execute0_lowered:
.L_overlay_start_1:
0x0: {  	(tag) =	ssettag $0x1  }
0x1: {  	s1 =	srdreg.scid  }
0x2: {  	s0 =	stileid.u32;
	s6 =	rddreg [dreg:$0x0]  }
0x3: {  	s4 =	rddreg [dreg:$0x1];
	s18 =	simm.s32 $0x880;
	s19 =	simm.s32 $0x1080  }
0x4: {  	s20 =	simm.s32 $0x1880;
	s22 =	simm.s32 $0x2080;
	s23 =	simm.s32 $0x2880  }
0x5: {  	s7 =	simm.s32 $0x3080;
	s24 =	simm.s32 $0x3880;
	s8 =	simm.s32 $0x4080  }
0x6: {  	s25 =	simm.s32 $0x4880;
	s26 =	simm.s32 $0x5080;
	s1 =	sand.u32 $0x1, s1  }
0x7: {  	s9 =	simm.s32 $0x80;
	s2 =	sshll.u32 s0, $0x7;
	s3 =	sshll.u32 s1, $0x6  }
0x8: {  	s11 =	simm.s32 $0x6080;
	s3 =	sor.u32 s3, s2;
	s2 =	simm.s32 $0x0  }
0x9: {  	s12 =	simm.s32 $0x6880;
	s13 =	simm.s32 $0x7080;
	[smem:$0x7FF] =	sst s2  }
0xa: {  	s14 =	simm.s32 $0x7880;
	_ =	strace $0x8000004A;
	[dreg:$0x5] =	wrdreg s18  }
0xb: {  	s15 =	simm.s32 $0x8080;
	s16 =	simm.s32 $0x8880;
	[dreg:$0x6] =	wrdreg s19  }
0xc: {  	s17 =	simm.s32 $0x9080;
	s28 =	simm.s32 $0xE080;
	[dreg:$0x7] =	wrdreg s20  }
0xd: {  	s29 =	simm.s32 $0xE880;
	s30 =	simm.s32 $0xF080;
	[dreg:$0x8] =	wrdreg s22  }
0xe: {  	s31 =	simm.s32 $0xF880;
	s1 =	ssub.s32 $0x2, s1;
	[dreg:$0x9] =	wrdreg s23  }
0xf: {  	s21 =	sshrl.u32 s1, $0x1;
	s5 =	sshrl.u32 s3, $0x3;
	[dreg:$0xa] =	wrdreg s7  }
0x10: {  	s3 =	sshll.u32 s3, $0x7;
	s1 =	ssub.s32 s1, s21;
	[dreg:$0xb] =	wrdreg s24  }
0x11: {  	s21 =	simm.s32 $0xB080;
	s5 =	sadd.s32 s5, s6;
	[dreg:$0xc] =	wrdreg s8  }
0x12: {  	s3 =	sadd.s32 s4, s3;
	s4 =	sadd.s32 $0x148500, s6;
	[dreg:$0xd] =	wrdreg s25  }
0x13: {  	s7 =	smax.u32 s1, $0x1;
	s8 =	simm.s32 $0x2;
	[dreg:$0xe] =	wrdreg s26  }
0x14: {  	s18 =	simm.s32 $0x9880;
	s19 =	simm.s32 $0xA080;
	s20 =	simm.s32 $0xA880  }
0x15: {  	s22 =	simm.s32 $0xB880;
	s23 =	simm.s32 $0xC080;
	s24 =	simm.s32 $0xC880  }
0x16: {  	v2 =	vlaneseq.u32;
	s25 =	simm.s32 $0xD080;
	s26 =	simm.s32 $0xD880;
	s1 =	simm.s32 $0x1  }
0x17: {  	vm0 =	vmmov $0xffff;
	v1 =	vshrl.u32 v2, $0x3;
	s5 =	sadd.s32 $0x8200, s5;
	[dreg:$0x4] =	wrdreg s3;
	s3 =	sadd.s32 $0x148400, s6  }
0x18: {  	v0 =	vand.u32 $0x7, v2;
	v2 =	vor.u32 $0x8, v2;
	v1 =	vmul.u32 $0x8, v1;
	[dreg:$0x3] =	wrdreg s5;
	s5 =	sadd.s32 $0x148600, s6;
	s6 =	sadd.s32 $0x148700, s6  }
.LBB2_1:
0x19: {  	s0 =	rddreg [dreg:$0x3]  }
0x1a: {  	[tilespmem:s2], [sflag:$0x2] =	stream.linear.gather [hbm4b:s0+s2], $0x40, $0x38;
	[tilespmem:$0x10080] =	vst v63  }
0x1b: {  	_ =	swait.ge [sflag:s8], $0x40  }
0x1c: {  	[sflag:s8] =	ssyncset.done $0x0  }
0x1d: {  	[sflag:s8] =	ssyncadd.s32 $0xFFFFFFC0  }
0x1e: {  	v3 =	vld [tilespmem:$0x0];
	_ =	sdelay $0x4  }
0x1f: {  	v4 =	vshll.u32 v3, $0x3  }
0x20: {  	v3 =	vand.u32 $0x7, v3;
	v4 =	vand.u32 $0xFFFFFFC0, v4  }
0x21: {  	v3 =	vor.u32 v3, v4  }
0x22: {  	v4 =	vperm.xlane v3, v0;
	_ =	sdelay $0x1  }
0x23: {  	v4 =	vadd.s32 v1, v4;
	_ =	sdelay $0x4  }
0x24: {  	[tilespmem:s9], [sflag:$0x1] =	stream.indirect_vreg.gather [hbm4b:s3+s2], $0x80, v4, vm0, $0xb8;
	[tilespmem:$0x10080] =	vst v63  }
0x25: {  	s0 =	rddreg [dreg:$0x5];
	v3 =	vperm.xlane v3, v2  }
0x26: {  	[tilespmem:s0], [sflag:$0x1] =	stream.indirect_vreg.gather [hbm4b:s4+s2], $0x80, v4, vm0, $0xb8;
	[tilespmem:$0x10080] =	vst v63  }
0x27: {  	s10 =	rddreg [dreg:$0x6];
	v3 =	vadd.s32 v1, v3  }
0x28: {  	[tilespmem:s10], [sflag:$0x1] =	stream.indirect_vreg.gather [hbm4b:s5+s2], $0x80, v4, vm0, $0xb8;
	[tilespmem:$0x10080] =	vst v63  }
0x29: {  	s0 =	rddreg [dreg:$0x7]  }
0x2a: {  	[tilespmem:s0], [sflag:$0x1] =	stream.indirect_vreg.gather [hbm4b:s6+s2], $0x80, v4, vm0, $0xb8;
	[tilespmem:$0x10080] =	vst v63  }
0x2b: {  	s10 =	rddreg [dreg:$0x8]  }
0x2c: {  	[tilespmem:s10], [sflag:$0x1] =	stream.indirect_vreg.gather [hbm4b:s3+s2], $0x80, v3, vm0, $0xb8;
	[tilespmem:$0x10080] =	vst v63  }
0x2d: {  	s0 =	rddreg [dreg:$0x9]  }
0x2e: {  	[tilespmem:s0], [sflag:$0x1] =	stream.indirect_vreg.gather [hbm4b:s4+s2], $0x80, v3, vm0, $0xb8;
	[tilespmem:$0x10080] =	vst v63  }
0x2f: {  	s10 =	rddreg [dreg:$0xa]  }
0x30: {  	[tilespmem:s10], [sflag:$0x1] =	stream.indirect_vreg.gather [hbm4b:s5+s2], $0x80, v3, vm0, $0xb8;
	[tilespmem:$0x10080] =	vst v63  }
0x31: {  	s0 =	rddreg [dreg:$0xb]  }
0x32: {  	[tilespmem:s0], [sflag:$0x1] =	stream.indirect_vreg.gather [hbm4b:s6+s2], $0x80, v3, vm0, $0xb8;
	[tilespmem:$0x10080] =	vst v63  }
0x33: {  	v3 =	vld [tilespmem:$0x10];
	_ =	sdelay $0x4  }
0x34: {  	v61 =	vshll.u32 v3, $0x3  }
0x35: {  	v3 =	vand.u32 $0x7, v3;
	v4 =	vand.u32 $0xFFFFFFC0, v61  }
0x36: {  	v3 =	vor.u32 v3, v4  }
0x37: {  	v4 =	vperm.xlane v3, v0;
	_ =	sdelay $0x1  }
0x38: {  	v4 =	vadd.s32 v1, v4;
	_ =	sdelay $0x3  }
0x39: {  	s0 =	rddreg [dreg:$0xc]  }
0x3a: {  	[tilespmem:s0], [sflag:$0x1] =	stream.indirect_vreg.gather [hbm4b:s3+s2], $0x80, v4, vm0, $0xb8;
	[tilespmem:$0x10080] =	vst v63  }
0x3b: {  	s10 =	rddreg [dreg:$0xd];
	v3 =	vperm.xlane v3, v2  }
0x3c: {  	[tilespmem:s10], [sflag:$0x1] =	stream.indirect_vreg.gather [hbm4b:s4+s2], $0x80, v4, vm0, $0xb8;
	[tilespmem:$0x10080] =	vst v63  }
0x3d: {  	v3 =	vadd.s32 v1, v3;
	s0 =	rddreg [dreg:$0xe]  }
0x3e: {  	[tilespmem:s0], [sflag:$0x1] =	stream.indirect_vreg.gather [hbm4b:s5+s2], $0x80, v4, vm0, $0xb8;
	[tilespmem:$0x10080] =	vst v63  }
0x3f: {  	s10 =	simm.s32 $0x5880  }
0x40: {  	[tilespmem:s10], [sflag:$0x1] =	stream.indirect_vreg.gather [hbm4b:s6+s2], $0x80, v4, vm0, $0xb8;
	[tilespmem:$0x10080] =	vst v63  }
0x41: {  	_ = 	snop  }
0x42: {  	[tilespmem:s11], [sflag:$0x1] =	stream.indirect_vreg.gather [hbm4b:s3+s2], $0x80, v3, vm0, $0xb8;
	[tilespmem:$0x10080] =	vst v63  }
0x43: {  	_ = 	snop  }
0x44: {  	[tilespmem:s12], [sflag:$0x1] =	stream.indirect_vreg.gather [hbm4b:s4+s2], $0x80, v3, vm0, $0xb8;
	[tilespmem:$0x10080] =	vst v63  }
0x45: {  	_ = 	snop  }
0x46: {  	[tilespmem:s13], [sflag:$0x1] =	stream.indirect_vreg.gather [hbm4b:s5+s2], $0x80, v3, vm0, $0xb8;
	[tilespmem:$0x10080] =	vst v63  }
0x47: {  	_ = 	snop  }
0x48: {  	[tilespmem:s14], [sflag:$0x1] =	stream.indirect_vreg.gather [hbm4b:s6+s2], $0x80, v3, vm0, $0xb8;
	[tilespmem:$0x10080] =	vst v63  }
0x49: {  	v3 =	vld [tilespmem:$0x20];
	_ =	sdelay $0x4  }
0x4a: {  	v62 =	vshll.u32 v3, $0x3  }
0x4b: {  	v3 =	vand.u32 $0x7, v3;
	v4 =	vand.u32 $0xFFFFFFC0, v62  }
0x4c: {  	v3 =	vor.u32 v3, v4  }
0x4d: {  	v4 =	vperm.xlane v3, v0;
	_ =	sdelay $0x1  }
0x4e: {  	v4 =	vadd.s32 v1, v4;
	_ =	sdelay $0x4  }
0x4f: {  	[tilespmem:s15], [sflag:$0x1] =	stream.indirect_vreg.gather [hbm4b:s3+s2], $0x80, v4, vm0, $0xb8;
	[tilespmem:$0x10080] =	vst v63  }
0x50: {  	v3 =	vperm.xlane v3, v2  }
0x51: {  	[tilespmem:s16], [sflag:$0x1] =	stream.indirect_vreg.gather [hbm4b:s4+s2], $0x80, v4, vm0, $0xb8;
	[tilespmem:$0x10080] =	vst v63  }
0x52: {  	v3 =	vadd.s32 v1, v3  }
0x53: {  	[tilespmem:s17], [sflag:$0x1] =	stream.indirect_vreg.gather [hbm4b:s5+s2], $0x80, v4, vm0, $0xb8;
	[tilespmem:$0x10080] =	vst v63  }
0x54: {  	_ = 	snop  }
0x55: {  	[tilespmem:s18], [sflag:$0x1] =	stream.indirect_vreg.gather [hbm4b:s6+s2], $0x80, v4, vm0, $0xb8;
	[tilespmem:$0x10080] =	vst v63  }
0x56: {  	_ = 	snop  }
0x57: {  	[tilespmem:s19], [sflag:$0x1] =	stream.indirect_vreg.gather [hbm4b:s3+s2], $0x80, v3, vm0, $0xb8;
	[tilespmem:$0x10080] =	vst v63  }
0x58: {  	_ = 	snop  }
0x59: {  	[tilespmem:s20], [sflag:$0x1] =	stream.indirect_vreg.gather [hbm4b:s4+s2], $0x80, v3, vm0, $0xb8;
	[tilespmem:$0x10080] =	vst v63  }
0x5a: {  	_ = 	snop  }
0x5b: {  	[tilespmem:s21], [sflag:$0x1] =	stream.indirect_vreg.gather [hbm4b:s5+s2], $0x80, v3, vm0, $0xb8;
	[tilespmem:$0x10080] =	vst v63  }
0x5c: {  	_ = 	snop  }
0x5d: {  	[tilespmem:s22], [sflag:$0x1] =	stream.indirect_vreg.gather [hbm4b:s6+s2], $0x80, v3, vm0, $0xb8;
	[tilespmem:$0x10080] =	vst v63  }
0x5e: {  	v3 =	vld [tilespmem:$0x30];
	_ =	sdelay $0x4  }
0x5f: {  	v63 =	vshll.u32 v3, $0x3  }
0x60: {  	v3 =	vand.u32 $0x7, v3;
	v4 =	vand.u32 $0xFFFFFFC0, v63  }
0x61: {  	v3 =	vor.u32 v3, v4  }
0x62: {  	v4 =	vperm.xlane v3, v0;
	_ =	sdelay $0x1  }
0x63: {  	v4 =	vadd.s32 v1, v4;
	_ =	sdelay $0x4  }
0x64: {  	[tilespmem:s23], [sflag:$0x1] =	stream.indirect_vreg.gather [hbm4b:s3+s2], $0x80, v4, vm0, $0xb8;
	[tilespmem:$0x10080] =	vst v63  }
0x65: {  	v3 =	vperm.xlane v3, v2  }
0x66: {  	[tilespmem:s24], [sflag:$0x1] =	stream.indirect_vreg.gather [hbm4b:s4+s2], $0x80, v4, vm0, $0xb8;
	[tilespmem:$0x10080] =	vst v63  }
0x67: {  	v3 =	vadd.s32 v1, v3  }
0x68: {  	[tilespmem:s25], [sflag:$0x1] =	stream.indirect_vreg.gather [hbm4b:s5+s2], $0x80, v4, vm0, $0xb8;
	[tilespmem:$0x10080] =	vst v63  }
0x69: {  	_ = 	snop  }
0x6a: {  	[tilespmem:s26], [sflag:$0x1] =	stream.indirect_vreg.gather [hbm4b:s6+s2], $0x80, v4, vm0, $0xb8;
	[tilespmem:$0x10080] =	vst v63  }
0x6b: {  	_ = 	snop  }
0x6c: {  	[tilespmem:s28], [sflag:$0x1] =	stream.indirect_vreg.gather [hbm4b:s3+s2], $0x80, v3, vm0, $0xb8;
	[tilespmem:$0x10080] =	vst v63  }
0x6d: {  	_ = 	snop  }
0x6e: {  	[tilespmem:s29], [sflag:$0x1] =	stream.indirect_vreg.gather [hbm4b:s4+s2], $0x80, v3, vm0, $0xb8;
	[tilespmem:$0x10080] =	vst v63  }
0x6f: {  	_ = 	snop  }
0x70: {  	[tilespmem:s30], [sflag:$0x1] =	stream.indirect_vreg.gather [hbm4b:s5+s2], $0x80, v3, vm0, $0xb8;
	[tilespmem:$0x10080] =	vst v63  }
0x71: {  	_ = 	snop  }
0x72: {  	[tilespmem:s31], [sflag:$0x1] =	stream.indirect_vreg.gather [hbm4b:s6+s2], $0x80, v3, vm0, $0xb8;
	[tilespmem:$0x10080] =	vst v63  }
0x73: {  	_ =	swait.ge [sflag:s1], $0x10000  }
0x74: {  	p0 =	sne.s32 s7, $0x1;
	[sflag:s1] =	ssyncset.done $0x0  }
.Ltmp0:
0x75: {  	s10 =	rddreg [dreg:$0x4];
	[sflag:s1] =	ssyncadd.s32 $0xFFFF0000;
	(pc) =	sbr.rel @p0 .LBB2_1-.Ltmp0, $4  }
0x76: {  	[hbm4b:s10+s2] =	stream.linear.scatter [tilespmem:s9], [sflag:$0x2], $0x10000, $0x38;
	[tilespmem:$0x10080] =	vst v63  }
0x77: {  	_ =	swait.ge [sflag:s8], $0x10000  }
0x78: {  	[sflag:s8] =	ssyncset.done $0x0  }
0x79: {  	s7 =	sadd.s32 $0xFFFFFFFF, s7;
	[sflag:s8] =	ssyncadd.s32 $0xFFFF0000  }
0x7a: {  	_ =	sfence.sel $0x180000  }
0x7b: {  	[bflag:$0x0] =	sbarrier.arrive $0xFFFF  }
0x7c: {  	_ =	strace $0x9000004A  }
0x7d: {  	s0 =	stileid.u32;
	[bflag:$0x2] =	sbarrier.arrive $0xFFFF  }
0x7e: {  	p0 =	sne.s32 s0, $0x0;
	s0 =	rddreg [dreg:$0x2]  }
0x7f: {  	s0 =	sadd.s32 @!p0 $0x100000, s0  }
0x80: {  	[sflag:s0] =	ssyncadd.tile.s32 @!p0 $0x1;
	_ =	shalt  }
.Lfunc_end2:
_tile_overlayer_lowered:
.L_overlay_start_2:
0x81: {  	(tag) =	ssettag $0x2  }
0x82: {  	s0 =	rddreg [dreg:$0x0];
	s2 =	stileid.u32  }
0x83: {  	s1 =	rddreg [dreg:$0x1];
	p0 =	sne.s32 s2, $0x0  }
0x84: {  	s3 =	rddreg [dreg:$0x2];
	[bflag:$0x3] =	sbarrier.arrive $0xFFFF;
	s2 =	simm.s32 @!p0 $0x1C02  }
0x85: {  	[timem:s3], [sflag:s2] =	dma.local @!p0 [hbm:s0], s1  }
0x86: {  	s0 =	simm.s32 @!p0 $0x2  }
0x87: {  	_ =	swait.ge @!p0 [sflag:s0], s1  }
0x88: {  	s1 =	ssub.s32 @!p0 $0x0, s1;
	[sflag:s0] =	ssyncset.done @!p0 $0x0  }
0x89: {  	[sflag:s0] =	ssyncadd.s32 @!p0 s1  }
0x8a: {  	[bflag:$0x3] =	sbarrier.arrive $0xFFFF  }
0x8b: {  	_ =	shalt  }

</sc_bundles>
